<compile_context>
chip_gen: v7x
topology: tpu7x:2x2x1
jax: 0.10.2.dev20260603
libtpu: 0.0.44.dev20260713+nightly
codegen_flags: <defaults>
</compile_context>

<pallas_src>
import functools

import numpy as np

import jax
import jax.numpy as jnp
from jax import lax
from jax.experimental import pallas as pl
from jax.experimental.pallas import tpu as pltpu
from jax.experimental.pallas import tpu_sc as plsc

B = 16384
V = 100000
N_GENRES = 20
OV_DIM = 384
COLL_DIM = 32
MOVIE_DIM = 64
RANK = 64

NC = 2
NS = 16
NW = NC * NS
B_PER_W = B // NW
CHUNK = 128
NCHUNK = B_PER_W // CHUNK

CDIM = 128
RD_COL = MOVIE_DIM + N_GENRES

TWO32 = 4294967296.0
DAY_NS_INV = 1.0 / 86_400e9


def _sc_ov_body(idx_hbm, ov_hbm, ov_out, idx_v, ov0, ov1, sem0, sem1):
    i32 = jnp.int32
    wid = (lax.axis_index("s") * NC + lax.axis_index("c")).astype(i32)
    base = wid * i32(B_PER_W)
    pltpu.sync_copy(idx_hbm.at[wid], idx_v)
    bufs = (ov0, ov1)
    sems = (sem0, sem1)
    cps = [None, None]
    for c in range(NCHUNK):
        cps[c % 2] = pltpu.async_copy(
            ov_hbm.at[idx_v.at[i32(c)]], bufs[c % 2], sems[c % 2])
        if c > 0:
            cps[(c - 1) % 2].wait()
            pltpu.sync_copy(bufs[(c - 1) % 2],
                            ov_out.at[pl.ds(base + i32((c - 1) * CHUNK), CHUNK)])
    cps[(NCHUNK - 1) % 2].wait()
    pltpu.sync_copy(bufs[(NCHUNK - 1) % 2],
                    ov_out.at[pl.ds(base + i32((NCHUNK - 1) * CHUNK), CHUNK)])


def _sc_ov_gather(idx3, ov_emb):
    mesh = plsc.VectorSubcoreMesh(core_axis_name="c", subcore_axis_name="s")
    f32, i32 = jnp.float32, jnp.int32
    run = pl.kernel(
        _sc_ov_body,
        out_type=[jax.ShapeDtypeStruct((B, OV_DIM), f32)],
        mesh=mesh,
        scratch_types=[
            pltpu.VMEM((NCHUNK, CHUNK), i32),
            pltpu.VMEM((CHUNK, OV_DIM), f32),
            pltpu.VMEM((CHUNK, OV_DIM), f32),
            pltpu.SemaphoreType.DMA,
            pltpu.SemaphoreType.DMA,
        ],
    )
    return run(idx3, ov_emb)


def _sc_small_body(idx_hbm, comb_hbm, coll_hbm, wcoll_hbm,
                   comb_out, cw_out,
                   idx_v, cbv, cidv, cwv, sem_a, sem_b):
    i32 = jnp.int32
    wid = (lax.axis_index("s") * NC + lax.axis_index("c")).astype(i32)
    base = wid * i32(B_PER_W)
    pltpu.sync_copy(idx_hbm.at[wid], idx_v)
    for c in range(NCHUNK):
        ids = idx_v.at[i32(c)]
        off = base + i32(c * CHUNK)
        cp_id = pltpu.async_copy(coll_hbm.at[ids], cidv, sem_b)
        cp_cb = pltpu.async_copy(comb_hbm.at[ids], cbv, sem_a)
        cp_id.wait()
        cp_cw = pltpu.async_copy(wcoll_hbm.at[cidv], cwv, sem_b)
        cp_cb.wait()
        pltpu.sync_copy(cbv, comb_out.at[pl.ds(off, CHUNK)])
        cp_cw.wait()
        pltpu.sync_copy(cwv, cw_out.at[pl.ds(off, CHUNK)])


def _sc_small_gather(idx3, comb, coll32, wcoll_p):
    mesh = plsc.VectorSubcoreMesh(core_axis_name="c", subcore_axis_name="s")
    f32, i32 = jnp.float32, jnp.int32
    run = pl.kernel(
        _sc_small_body,
        out_type=[
            jax.ShapeDtypeStruct((B, CDIM), f32),
            jax.ShapeDtypeStruct((B, CDIM), f32),
        ],
        mesh=mesh,
        scratch_types=[
            pltpu.VMEM((NCHUNK, CHUNK), i32),
            pltpu.VMEM((CHUNK, CDIM), f32),
            pltpu.VMEM((CHUNK,), i32),
            pltpu.VMEM((CHUNK, CDIM), f32),
            pltpu.SemaphoreType.DMA,
            pltpu.SemaphoreType.DMA,
        ],
    )
    return run(idx3, comb, coll32, wcoll_p)


def _split_f32(lo, hi):
    f32 = jnp.float32
    lo_f = lo.astype(f32) + jnp.where(lo < 0, f32(TWO32), f32(0.0))
    return hi.astype(f32) * f32(TWO32) + lo_f


def _tc_mlp_body(ov_ref, cb_ref, cw_ref, ts_ref,
                 w1cb_ref, w1cw_ref, w1o_ref, wts_ref, b1_ref,
                 w2_ref, b2_ref, out_ref):
    comb = cb_ref[...]
    rd_lo = lax.bitcast_convert_type(comb[:, RD_COL:RD_COL + 1], jnp.int32)
    rd_hi = lax.bitcast_convert_type(comb[:, RD_COL + 1:RD_COL + 2], jnp.int32)
    ts = ts_ref[...]
    f32 = jnp.float32
    diff = _split_f32(ts[:, 0:1], ts[:, 1:2]) - _split_f32(rd_lo, rd_hi)
    days = jnp.maximum(jnp.floor(diff * f32(DAY_NS_INV)), f32(1.0))
    x_ts = (jnp.minimum(jnp.log(days), f32(10.0)) - f32(5.0)) / f32(5.0)
    dot = functools.partial(jnp.dot, preferred_element_type=jnp.float32)
    h = (dot(comb, w1cb_ref[...])
         + dot(cw_ref[...], w1cw_ref[...])
         + dot(ov_ref[...], w1o_ref[...])
         + x_ts * wts_ref[...]
         + b1_ref[...])
    h = jnp.maximum(h, 0.0)
    out_ref[...] = dot(h, w2_ref[...]) + b2_ref[...]


def _tc_mlp(ov_g, comb_g, cw_g, ts2, w1cb, w1cw, w1o, wts, b1r, w2, b2r):
    BM = 1024
    zero = np.int32(0)

    def row_block(d):
        return pl.BlockSpec((BM, d), lambda i: (i, zero))

    def full_block(shape):
        return pl.BlockSpec(shape, lambda i: (zero, zero))

    return pl.pallas_call(
        _tc_mlp_body,
        grid=(B // BM,),
        in_specs=[
            row_block(OV_DIM),
            row_block(CDIM),
            row_block(CDIM),
            row_block(2),
            full_block((CDIM, 64)),
            full_block((CDIM, 64)),
            full_block((OV_DIM, 64)),
            full_block((1, 64)),
            full_block((1, 64)),
            full_block((64, RANK)),
            full_block((1, RANK)),
        ],
        out_specs=pl.BlockSpec((BM, RANK), lambda i: (i, np.int32(0))),
        out_shape=jax.ShapeDtypeStruct((B, RANK), jnp.float32),
    )(ov_g, comb_g, cw_g, ts2, w1cb, w1cw, w1o, wts, b1r, w2, b2r)


def kernel(x, ts, movie_emb, genres, collection, ov_emb, release_date,
           W_coll, W1, b1, W2, b2):
    f32 = jnp.float32
    idx3 = x.astype(jnp.int32).reshape(NW, NCHUNK, CHUNK)
    ts2 = lax.bitcast_convert_type(ts, jnp.int32)
    rd2f = lax.bitcast_convert_type(
        lax.bitcast_convert_type(release_date, jnp.int32), f32)
    clw = lax.bitcast_convert_type(
        collection.reshape(V // 32, 32), jnp.int32)
    coll32 = clw.reshape(V // 32, 64)[:, 0::2].reshape(V)

    wcoll_p = jnp.concatenate(
        [W_coll, jnp.zeros((W_coll.shape[0], CDIM - COLL_DIM), f32)], axis=1)

    (ov_g,) = _sc_ov_gather(idx3, ov_emb)
    comb = jnp.concatenate(
        [movie_emb, genres, rd2f,
         jnp.zeros((V, CDIM - RD_COL - 2), f32)], axis=1)
    comb_g, cw_g = _sc_small_gather(idx3, comb, coll32, wcoll_p)

    w1cb = jnp.concatenate([W1[:RD_COL], jnp.zeros((CDIM - RD_COL, 64), f32)])
    w1cw = jnp.concatenate(
        [W1[RD_COL:RD_COL + COLL_DIM], jnp.zeros((CDIM - COLL_DIM, 64), f32)])
    w1o = W1[RD_COL + COLL_DIM:RD_COL + COLL_DIM + OV_DIM]
    wts = W1[RD_COL + COLL_DIM + OV_DIM:]
    return _tc_mlp(ov_g, comb_g, cw_g, ts2, w1cb, w1cw, w1o, wts,
                   b1.reshape(1, 64), W2, b2.reshape(1, RANK))

# --- scband reference (transcript-rebuilt; emitter-appended) ---
"""Pipeline reference for scband-movie-info-model-57088705298527 (READ-ONLY COPY).

The authoritative reference and input builder live on the scoring server;
editing this copy changes nothing except your own understanding.
"""

import jax, jax.numpy as jnp
import numpy as np
jax.config.update("jax_enable_x64", True)

V = 100000        # movie vocab
B = 16384         # batch
N_GENRES = 20
OV_DIM = 384
N_COLL = 5000
COLL_DIM = 32
MOVIE_DIM = 64
RANK = 64


def setup_inputs(seed: int = 0) -> dict:
    key = jax.random.key(seed)
    ks = jax.random.split(key, 12)
    # forward inputs
    x = jax.random.randint(ks[0], (B,), 0, V, dtype=jnp.int64)
    ts = jax.random.randint(ks[1], (B,), 1_500_000_000, 1_700_000_000, dtype=jnp.int64) * 1_000_000_000  # ns timestamps
    # per-movie constant side tables (rows indexed by lookup result)
    movie_emb = jax.random.normal(ks[2], (V, MOVIE_DIM), dtype=jnp.float32) * 0.05  # stands in for movie_model(x)
    genres = (jax.random.uniform(ks[3], (V, N_GENRES)) < 0.15).astype(jnp.float32)
    collection = jax.random.randint(ks[4], (V,), 0, N_COLL, dtype=jnp.int64)
    ov_emb = jax.random.normal(ks[5], (V, OV_DIM), dtype=jnp.float32) * 0.05
    release_date = jax.random.randint(ks[6], (V,), 300_000_000, 1_600_000_000, dtype=jnp.int64) * 1_000_000_000  # ns
    # learned params
    W_coll = jax.random.normal(ks[7], (N_COLL, COLL_DIM), dtype=jnp.float32) * 0.05
    d_concat = MOVIE_DIM + N_GENRES + COLL_DIM + OV_DIM + 1
    W1 = jax.random.normal(ks[8], (d_concat, 64), dtype=jnp.float32) * (2.0 / d_concat) ** 0.5
    b1 = jnp.zeros((64,), dtype=jnp.float32)
    W2 = jax.random.normal(ks[9], (64, RANK), dtype=jnp.float32) * 0.05
    b2 = jnp.zeros((RANK,), dtype=jnp.float32)
    return {"x": x, "ts": ts, "movie_emb": movie_emb, "genres": genres,
            "collection": collection, "ov_emb": ov_emb, "release_date": release_date,
            "W_coll": W_coll, "W1": W1, "b1": b1, "W2": W2, "b2": b2}


def reference(x, ts, movie_emb, genres, collection, ov_emb, release_date,
              W_coll, W1, b1, W2, b2):
    # IntegerLookup with vocabulary == df row ids acts as identity here (ids in [0, V)).
    idx = x
    x_movie = jnp.take(movie_emb, idx, axis=0)          # movie_model(x)
    x_genre = jnp.take(genres, idx, axis=0)             # tf.gather(self.genres, x)
    coll_id = jnp.take(collection, idx, axis=0)         # tf.gather(self.collection, x)
    x_coll = jnp.take(W_coll, coll_id, axis=0)          # self.emb_collection(...)
    x_ov = jnp.take(ov_emb, idx, axis=0)                # tf.gather(self.ov_emb, x)
    rd = jnp.take(release_date, idx, axis=0)            # tf.gather(self.release_date, x)
    days = jnp.floor_divide(
        jnp.floor_divide(
            jnp.floor_divide((ts - rd).astype(jnp.float64), 1000000000.0),
            3600.0),
        24.0)
    days = jnp.maximum(days, 1.0)
    x_ts = ((jnp.minimum(jnp.log(days), 10.0) - 5.0) / 5.0).astype(jnp.float32)
    h = jnp.concatenate([x_movie, x_genre, x_coll, x_ov, x_ts[:, None]], axis=-1)
    h = jax.nn.relu(h @ W1 + b1)
    return h @ W2 + b2

if __name__ == "__main__":
    import jax
    _d = setup_inputs()
    print(jax.jit(kernel)(*tuple(_d.values())))

</pallas_src>

<mosaic_0001>
#map = affine_map<(d0, d1) -> (0, 0, 0)>
#map1 = affine_map<(d0, d1) -> (0, 0)>
#map2 = affine_map<(d0, d1) -> (0)>
module attributes {stable_mosaic.version = 14 : i64} {
  func.func @_sc_small_body(%arg0: i32, %arg1: i32, %arg2: memref<32x4x128xi32, #tpu.memory_space<hbm>>, %arg3: memref<100000x128xf32, #tpu.memory_space<hbm>>, %arg4: memref<100000xi32, #tpu.memory_space<hbm>>, %arg5: memref<5000x128xf32, #tpu.memory_space<hbm>>, %arg6: memref<16384x128xf32, #tpu.memory_space<hbm>>, %arg7: memref<16384x128xf32, #tpu.memory_space<hbm>>, %arg8: memref<4x128xi32, #tpu.memory_space<vmem>>, %arg9: memref<128x128xf32, #tpu.memory_space<vmem>>, %arg10: memref<128xi32, #tpu.memory_space<vmem>>, %arg11: memref<128x128xf32, #tpu.memory_space<vmem>>, %arg12: memref<!tpu.dma_semaphore, #tpu.memory_space<semaphore_mem>>, %arg13: memref<!tpu.dma_semaphore, #tpu.memory_space<semaphore_mem>>) attributes {dimension_semantics = [#tpu.dimension_semantics<core_parallel>, #tpu.dimension_semantics<subcore_parallel>], iteration_bounds = array<i64: 2, 16>, scalar_prefetch = 0 : i64, scratch_operands = 6 : i64, tpu.core_type = #tpu.core_type<sc_vector_subcore>, window_params = [{transform_indices = #map}, {transform_indices = #map1}, {transform_indices = #map2}, {transform_indices = #map1}, {transform_indices = #map1}, {transform_indices = #map1}]} {
    %mul3A = arith.constant 2 : i32
    %mul3A_0 = arith.muli %arg1, %mul3A : i32
    %add3A = arith.addi %mul3A_0, %arg0 : i32
    %mul3A_1 = arith.constant 512 : i32
    %mul3A_2 = arith.muli %add3A, %mul3A_1 : i32
    "tpu.region"() ({
      %run_scoped3A = tpu.sem_alloc : memref<!tpu.dma_semaphore, #tpu.memory_space<semaphore_mem>>
      %dma_start3A_137 = arith.constant 0 : i32
      %dma_start3A_138 = arith.constant 0 : i32
      %dma_start3A_139 = tpu.memref_slice %arg2[%add3A, %dma_start3A_137, %dma_start3A_138] : memref<32x4x128xi32, #tpu.memory_space<hbm>> -> memref<1x4x128xi32, #tpu.memory_space<hbm>>
      %dma_start3A_140 = tpu.memref_squeeze %dma_start3A_139 : memref<1x4x128xi32, #tpu.memory_space<hbm>> -> memref<4x128xi32, #tpu.memory_space<hbm>>
      %dma_start3A_141 = arith.constant 0 : i32
      %dma_start3A_142 = arith.constant 0 : i32
      %dma_start3A_143 = tpu.memref_slice %arg2[%add3A, %dma_start3A_141, %dma_start3A_142] : memref<32x4x128xi32, #tpu.memory_space<hbm>> -> memref<1x4x128xi32, #tpu.memory_space<hbm>>
      %dma_start3A_144 = tpu.memref_squeeze %dma_start3A_143 : memref<1x4x128xi32, #tpu.memory_space<hbm>> -> memref<4x128xi32, #tpu.memory_space<hbm>>
      tpu.enqueue_dma source(%dma_start3A_144 : memref<4x128xi32, #tpu.memory_space<hbm>>) target(%arg8 : memref<4x128xi32, #tpu.memory_space<vmem>>) target_semaphore(%run_scoped3A : memref<!tpu.dma_semaphore, #tpu.memory_space<semaphore_mem>>)
      %dma_wait3A_145 = arith.constant 0 : i32
      %dma_wait3A_146 = arith.constant 0 : i32
      %dma_wait3A_147 = tpu.memref_slice %arg2[%add3A, %dma_wait3A_145, %dma_wait3A_146] : memref<32x4x128xi32, #tpu.memory_space<hbm>> -> memref<1x4x128xi32, #tpu.memory_space<hbm>>
      %dma_wait3A_148 = tpu.memref_squeeze %dma_wait3A_147 : memref<1x4x128xi32, #tpu.memory_space<hbm>> -> memref<4x128xi32, #tpu.memory_space<hbm>>
      %dma_wait3A_149 = arith.constant 0 : i32
      %dma_wait3A_150 = arith.constant 0 : i32
      %dma_wait3A_151 = tpu.memref_slice %arg2[%add3A, %dma_wait3A_149, %dma_wait3A_150] : memref<32x4x128xi32, #tpu.memory_space<hbm>> -> memref<1x4x128xi32, #tpu.memory_space<hbm>>
      %dma_wait3A_152 = tpu.memref_squeeze %dma_wait3A_151 : memref<1x4x128xi32, #tpu.memory_space<hbm>> -> memref<4x128xi32, #tpu.memory_space<hbm>>
      tpu.wait_dma2 semaphore(%run_scoped3A : memref<!tpu.dma_semaphore, #tpu.memory_space<semaphore_mem>>) src(%dma_wait3A_152 : memref<4x128xi32, #tpu.memory_space<hbm>>) dst(%arg8 : memref<4x128xi32, #tpu.memory_space<vmem>>)
      tpu.yield
    }) : () -> ()
    %add3A_3 = arith.constant 0 : i32
    %add3A_4 = arith.addi %mul3A_2, %add3A_3 : i32
    %dma_start3A = arith.constant 0 : i32
    %dma_start3A_5 = arith.constant 0 : i32
    %dma_start3A_6 = tpu.memref_slice %arg8[%dma_start3A, %dma_start3A_5] : memref<4x128xi32, #tpu.memory_space<vmem>> -> memref<1x128xi32, #tpu.memory_space<vmem>>
    %dma_start3A_7 = tpu.memref_squeeze %dma_start3A_6 : memref<1x128xi32, #tpu.memory_space<vmem>> -> memref<128xi32, #tpu.memory_space<vmem>>
    %dma_start3A_8 = arith.constant 0 : i32
    %dma_start3A_9 = tpu.memref_slice %arg4[%dma_start3A_8] : memref<100000xi32, #tpu.memory_space<hbm>> -> memref<100000xi32, #tpu.memory_space<hbm>>
    tpu.enqueue_indirect_dma source(%dma_start3A_9 : memref<100000xi32, #tpu.memory_space<hbm>>) target(%arg10 : memref<128xi32, #tpu.memory_space<vmem>>) offsets(%dma_start3A_7 : memref<128xi32, #tpu.memory_space<vmem>>) semaphore(%arg13 : memref<!tpu.dma_semaphore, #tpu.memory_space<semaphore_mem>>)
    %dma_start3A_10 = arith.constant 0 : i32
    %dma_start3A_11 = arith.constant 0 : i32
    %dma_start3A_12 = tpu.memref_slice %arg8[%dma_start3A_10, %dma_start3A_11] : memref<4x128xi32, #tpu.memory_space<vmem>> -> memref<1x128xi32, #tpu.memory_space<vmem>>
    %dma_start3A_13 = tpu.memref_squeeze %dma_start3A_12 : memref<1x128xi32, #tpu.memory_space<vmem>> -> memref<128xi32, #tpu.memory_space<vmem>>
    %dma_start3A_14 = arith.constant 0 : i32
    %dma_start3A_15 = arith.constant 0 : i32
    %dma_start3A_16 = tpu.memref_slice %arg3[%dma_start3A_14, %dma_start3A_15] : memref<100000x128xf32, #tpu.memory_space<hbm>> -> memref<100000x128xf32, #tpu.memory_space<hbm>>
    tpu.enqueue_indirect_dma source(%dma_start3A_16 : memref<100000x128xf32, #tpu.memory_space<hbm>>) target(%arg9 : memref<128x128xf32, #tpu.memory_space<vmem>>) offsets(%dma_start3A_13 : memref<128xi32, #tpu.memory_space<vmem>>) semaphore(%arg12 : memref<!tpu.dma_semaphore, #tpu.memory_space<semaphore_mem>>)
    %dma_wait3A = arith.constant 0 : i32
    %dma_wait3A_17 = arith.constant 0 : i32
    %dma_wait3A_18 = tpu.memref_slice %arg8[%dma_wait3A, %dma_wait3A_17] : memref<4x128xi32, #tpu.memory_space<vmem>> -> memref<1x128xi32, #tpu.memory_space<vmem>>
    %dma_wait3A_19 = tpu.memref_squeeze %dma_wait3A_18 : memref<1x128xi32, #tpu.memory_space<vmem>> -> memref<128xi32, #tpu.memory_space<vmem>>
    %dma_wait3A_20 = arith.constant 0 : i32
    %dma_wait3A_21 = tpu.memref_slice %arg4[%dma_wait3A_20] : memref<100000xi32, #tpu.memory_space<hbm>> -> memref<100000xi32, #tpu.memory_space<hbm>>
    tpu.wait_indirect_dma semaphore(%arg13 : memref<!tpu.dma_semaphore, #tpu.memory_space<semaphore_mem>>) src(%dma_wait3A_21 : memref<100000xi32, #tpu.memory_space<hbm>>) dst(%arg10 : memref<128xi32, #tpu.memory_space<vmem>>)
    %dma_start3A_22 = arith.constant 0 : i32
    %dma_start3A_23 = arith.constant 0 : i32
    %dma_start3A_24 = tpu.memref_slice %arg5[%dma_start3A_22, %dma_start3A_23] : memref<5000x128xf32, #tpu.memory_space<hbm>> -> memref<5000x128xf32, #tpu.memory_space<hbm>>
    tpu.enqueue_indirect_dma source(%dma_start3A_24 : memref<5000x128xf32, #tpu.memory_space<hbm>>) target(%arg11 : memref<128x128xf32, #tpu.memory_space<vmem>>) offsets(%arg10 : memref<128xi32, #tpu.memory_space<vmem>>) semaphore(%arg13 : memref<!tpu.dma_semaphore, #tpu.memory_space<semaphore_mem>>)
    %dma_wait3A_25 = arith.constant 0 : i32
    %dma_wait3A_26 = arith.constant 0 : i32
    %dma_wait3A_27 = tpu.memref_slice %arg8[%dma_wait3A_25, %dma_wait3A_26] : memref<4x128xi32, #tpu.memory_space<vmem>> -> memref<1x128xi32, #tpu.memory_space<vmem>>
    %dma_wait3A_28 = tpu.memref_squeeze %dma_wait3A_27 : memref<1x128xi32, #tpu.memory_space<vmem>> -> memref<128xi32, #tpu.memory_space<vmem>>
    %dma_wait3A_29 = arith.constant 0 : i32
    %dma_wait3A_30 = arith.constant 0 : i32
    %dma_wait3A_31 = tpu.memref_slice %arg3[%dma_wait3A_29, %dma_wait3A_30] : memref<100000x128xf32, #tpu.memory_space<hbm>> -> memref<100000x128xf32, #tpu.memory_space<hbm>>
    tpu.wait_indirect_dma semaphore(%arg12 : memref<!tpu.dma_semaphore, #tpu.memory_space<semaphore_mem>>) src(%dma_wait3A_31 : memref<100000x128xf32, #tpu.memory_space<hbm>>) dst(%arg9 : memref<128x128xf32, #tpu.memory_space<vmem>>)
    "tpu.region"() ({
      %run_scoped3A = tpu.sem_alloc : memref<!tpu.dma_semaphore, #tpu.memory_space<semaphore_mem>>
      %dma_start3A_137 = arith.constant 0 : i32
      %dma_start3A_138 = tpu.memref_slice %arg6[%add3A_4, %dma_start3A_137] : memref<16384x128xf32, #tpu.memory_space<hbm>> -> memref<128x128xf32, #tpu.memory_space<hbm>>
      %dma_start3A_139 = arith.constant 0 : i32
      %dma_start3A_140 = tpu.memref_slice %arg6[%add3A_4, %dma_start3A_139] : memref<16384x128xf32, #tpu.memory_space<hbm>> -> memref<128x128xf32, #tpu.memory_space<hbm>>
      tpu.enqueue_dma source(%arg9 : memref<128x128xf32, #tpu.memory_space<vmem>>) target(%dma_start3A_140 : memref<128x128xf32, #tpu.memory_space<hbm>>) target_semaphore(%run_scoped3A : memref<!tpu.dma_semaphore, #tpu.memory_space<semaphore_mem>>)
      %dma_wait3A_141 = arith.constant 0 : i32
      %dma_wait3A_142 = tpu.memref_slice %arg6[%add3A_4, %dma_wait3A_141] : memref<16384x128xf32, #tpu.memory_space<hbm>> -> memref<128x128xf32, #tpu.memory_space<hbm>>
      %dma_wait3A_143 = arith.constant 0 : i32
      %dma_wait3A_144 = tpu.memref_slice %arg6[%add3A_4, %dma_wait3A_143] : memref<16384x128xf32, #tpu.memory_space<hbm>> -> memref<128x128xf32, #tpu.memory_space<hbm>>
      tpu.wait_dma2 semaphore(%run_scoped3A : memref<!tpu.dma_semaphore, #tpu.memory_space<semaphore_mem>>) src(%arg9 : memref<128x128xf32, #tpu.memory_space<vmem>>) dst(%dma_wait3A_144 : memref<128x128xf32, #tpu.memory_space<hbm>>)
      tpu.yield
    }) : () -> ()
    %dma_wait3A_32 = arith.constant 0 : i32
    %dma_wait3A_33 = arith.constant 0 : i32
    %dma_wait3A_34 = tpu.memref_slice %arg5[%dma_wait3A_32, %dma_wait3A_33] : memref<5000x128xf32, #tpu.memory_space<hbm>> -> memref<5000x128xf32, #tpu.memory_space<hbm>>
    tpu.wait_indirect_dma semaphore(%arg13 : memref<!tpu.dma_semaphore, #tpu.memory_space<semaphore_mem>>) src(%dma_wait3A_34 : memref<5000x128xf32, #tpu.memory_space<hbm>>) dst(%arg11 : memref<128x128xf32, #tpu.memory_space<vmem>>)
    "tpu.region"() ({
      %run_scoped3A = tpu.sem_alloc : memref<!tpu.dma_semaphore, #tpu.memory_space<semaphore_mem>>
      %dma_start3A_137 = arith.constant 0 : i32
      %dma_start3A_138 = tpu.memref_slice %arg7[%add3A_4, %dma_start3A_137] : memref<16384x128xf32, #tpu.memory_space<hbm>> -> memref<128x128xf32, #tpu.memory_space<hbm>>
      %dma_start3A_139 = arith.constant 0 : i32
      %dma_start3A_140 = tpu.memref_slice %arg7[%add3A_4, %dma_start3A_139] : memref<16384x128xf32, #tpu.memory_space<hbm>> -> memref<128x128xf32, #tpu.memory_space<hbm>>
      tpu.enqueue_dma source(%arg11 : memref<128x128xf32, #tpu.memory_space<vmem>>) target(%dma_start3A_140 : memref<128x128xf32, #tpu.memory_space<hbm>>) target_semaphore(%run_scoped3A : memref<!tpu.dma_semaphore, #tpu.memory_space<semaphore_mem>>)
      %dma_wait3A_141 = arith.constant 0 : i32
      %dma_wait3A_142 = tpu.memref_slice %arg7[%add3A_4, %dma_wait3A_141] : memref<16384x128xf32, #tpu.memory_space<hbm>> -> memref<128x128xf32, #tpu.memory_space<hbm>>
      %dma_wait3A_143 = arith.constant 0 : i32
      %dma_wait3A_144 = tpu.memref_slice %arg7[%add3A_4, %dma_wait3A_143] : memref<16384x128xf32, #tpu.memory_space<hbm>> -> memref<128x128xf32, #tpu.memory_space<hbm>>
      tpu.wait_dma2 semaphore(%run_scoped3A : memref<!tpu.dma_semaphore, #tpu.memory_space<semaphore_mem>>) src(%arg11 : memref<128x128xf32, #tpu.memory_space<vmem>>) dst(%dma_wait3A_144 : memref<128x128xf32, #tpu.memory_space<hbm>>)
      tpu.yield
    }) : () -> ()
    %add3A_35 = arith.constant 128 : i32
    %add3A_36 = arith.addi %mul3A_2, %add3A_35 : i32
    %dma_start3A_37 = arith.constant 1 : i32
    %dma_start3A_38 = arith.constant 0 : i32
    %dma_start3A_39 = tpu.memref_slice %arg8[%dma_start3A_37, %dma_start3A_38] : memref<4x128xi32, #tpu.memory_space<vmem>> -> memref<1x128xi32, #tpu.memory_space<vmem>>
    %dma_start3A_40 = tpu.memref_squeeze %dma_start3A_39 : memref<1x128xi32, #tpu.memory_space<vmem>> -> memref<128xi32, #tpu.memory_space<vmem>>
    %dma_start3A_41 = arith.constant 0 : i32
    %dma_start3A_42 = tpu.memref_slice %arg4[%dma_start3A_41] : memref<100000xi32, #tpu.memory_space<hbm>> -> memref<100000xi32, #tpu.memory_space<hbm>>
    tpu.enqueue_indirect_dma source(%dma_start3A_42 : memref<100000xi32, #tpu.memory_space<hbm>>) target(%arg10 : memref<128xi32, #tpu.memory_space<vmem>>) offsets(%dma_start3A_40 : memref<128xi32, #tpu.memory_space<vmem>>) semaphore(%arg13 : memref<!tpu.dma_semaphore, #tpu.memory_space<semaphore_mem>>)
    %dma_start3A_43 = arith.constant 1 : i32
    %dma_start3A_44 = arith.constant 0 : i32
    %dma_start3A_45 = tpu.memref_slice %arg8[%dma_start3A_43, %dma_start3A_44] : memref<4x128xi32, #tpu.memory_space<vmem>> -> memref<1x128xi32, #tpu.memory_space<vmem>>
    %dma_start3A_46 = tpu.memref_squeeze %dma_start3A_45 : memref<1x128xi32, #tpu.memory_space<vmem>> -> memref<128xi32, #tpu.memory_space<vmem>>
    %dma_start3A_47 = arith.constant 0 : i32
    %dma_start3A_48 = arith.constant 0 : i32
    %dma_start3A_49 = tpu.memref_slice %arg3[%dma_start3A_47, %dma_start3A_48] : memref<100000x128xf32, #tpu.memory_space<hbm>> -> memref<100000x128xf32, #tpu.memory_space<hbm>>
    tpu.enqueue_indirect_dma source(%dma_start3A_49 : memref<100000x128xf32, #tpu.memory_space<hbm>>) target(%arg9 : memref<128x128xf32, #tpu.memory_space<vmem>>) offsets(%dma_start3A_46 : memref<128xi32, #tpu.memory_space<vmem>>) semaphore(%arg12 : memref<!tpu.dma_semaphore, #tpu.memory_space<semaphore_mem>>)
    %dma_wait3A_50 = arith.constant 1 : i32
    %dma_wait3A_51 = arith.constant 0 : i32
    %dma_wait3A_52 = tpu.memref_slice %arg8[%dma_wait3A_50, %dma_wait3A_51] : memref<4x128xi32, #tpu.memory_space<vmem>> -> memref<1x128xi32, #tpu.memory_space<vmem>>
    %dma_wait3A_53 = tpu.memref_squeeze %dma_wait3A_52 : memref<1x128xi32, #tpu.memory_space<vmem>> -> memref<128xi32, #tpu.memory_space<vmem>>
    %dma_wait3A_54 = arith.constant 0 : i32
    %dma_wait3A_55 = tpu.memref_slice %arg4[%dma_wait3A_54] : memref<100000xi32, #tpu.memory_space<hbm>> -> memref<100000xi32, #tpu.memory_space<hbm>>
    tpu.wait_indirect_dma semaphore(%arg13 : memref<!tpu.dma_semaphore, #tpu.memory_space<semaphore_mem>>) src(%dma_wait3A_55 : memref<100000xi32, #tpu.memory_space<hbm>>) dst(%arg10 : memref<128xi32, #tpu.memory_space<vmem>>)
    %dma_start3A_56 = arith.constant 0 : i32
    %dma_start3A_57 = arith.constant 0 : i32
    %dma_start3A_58 = tpu.memref_slice %arg5[%dma_start3A_56, %dma_start3A_57] : memref<5000x128xf32, #tpu.memory_space<hbm>> -> memref<5000x128xf32, #tpu.memory_space<hbm>>
    tpu.enqueue_indirect_dma source(%dma_start3A_58 : memref<5000x128xf32, #tpu.memory_space<hbm>>) target(%arg11 : memref<128x128xf32, #tpu.memory_space<vmem>>) offsets(%arg10 : memref<128xi32, #tpu.memory_space<vmem>>) semaphore(%arg13 : memref<!tpu.dma_semaphore, #tpu.memory_space<semaphore_mem>>)
    %dma_wait3A_59 = arith.constant 1 : i32
    %dma_wait3A_60 = arith.constant 0 : i32
    %dma_wait3A_61 = tpu.memref_slice %arg8[%dma_wait3A_59, %dma_wait3A_60] : memref<4x128xi32, #tpu.memory_space<vmem>> -> memref<1x128xi32, #tpu.memory_space<vmem>>
    %dma_wait3A_62 = tpu.memref_squeeze %dma_wait3A_61 : memref<1x128xi32, #tpu.memory_space<vmem>> -> memref<128xi32, #tpu.memory_space<vmem>>
    %dma_wait3A_63 = arith.constant 0 : i32
    %dma_wait3A_64 = arith.constant 0 : i32
    %dma_wait3A_65 = tpu.memref_slice %arg3[%dma_wait3A_63, %dma_wait3A_64] : memref<100000x128xf32, #tpu.memory_space<hbm>> -> memref<100000x128xf32, #tpu.memory_space<hbm>>
    tpu.wait_indirect_dma semaphore(%arg12 : memref<!tpu.dma_semaphore, #tpu.memory_space<semaphore_mem>>) src(%dma_wait3A_65 : memref<100000x128xf32, #tpu.memory_space<hbm>>) dst(%arg9 : memref<128x128xf32, #tpu.memory_space<vmem>>)
    "tpu.region"() ({
      %run_scoped3A = tpu.sem_alloc : memref<!tpu.dma_semaphore, #tpu.memory_space<semaphore_mem>>
      %dma_start3A_137 = arith.constant 0 : i32
      %dma_start3A_138 = tpu.memref_slice %arg6[%add3A_36, %dma_start3A_137] : memref<16384x128xf32, #tpu.memory_space<hbm>> -> memref<128x128xf32, #tpu.memory_space<hbm>>
      %dma_start3A_139 = arith.constant 0 : i32
      %dma_start3A_140 = tpu.memref_slice %arg6[%add3A_36, %dma_start3A_139] : memref<16384x128xf32, #tpu.memory_space<hbm>> -> memref<128x128xf32, #tpu.memory_space<hbm>>
      tpu.enqueue_dma source(%arg9 : memref<128x128xf32, #tpu.memory_space<vmem>>) target(%dma_start3A_140 : memref<128x128xf32, #tpu.memory_space<hbm>>) target_semaphore(%run_scoped3A : memref<!tpu.dma_semaphore, #tpu.memory_space<semaphore_mem>>)
      %dma_wait3A_141 = arith.constant 0 : i32
      %dma_wait3A_142 = tpu.memref_slice %arg6[%add3A_36, %dma_wait3A_141] : memref<16384x128xf32, #tpu.memory_space<hbm>> -> memref<128x128xf32, #tpu.memory_space<hbm>>
      %dma_wait3A_143 = arith.constant 0 : i32
      %dma_wait3A_144 = tpu.memref_slice %arg6[%add3A_36, %dma_wait3A_143] : memref<16384x128xf32, #tpu.memory_space<hbm>> -> memref<128x128xf32, #tpu.memory_space<hbm>>
      tpu.wait_dma2 semaphore(%run_scoped3A : memref<!tpu.dma_semaphore, #tpu.memory_space<semaphore_mem>>) src(%arg9 : memref<128x128xf32, #tpu.memory_space<vmem>>) dst(%dma_wait3A_144 : memref<128x128xf32, #tpu.memory_space<hbm>>)
      tpu.yield
    }) : () -> ()
    %dma_wait3A_66 = arith.constant 0 : i32
    %dma_wait3A_67 = arith.constant 0 : i32
    %dma_wait3A_68 = tpu.memref_slice %arg5[%dma_wait3A_66, %dma_wait3A_67] : memref<5000x128xf32, #tpu.memory_space<hbm>> -> memref<5000x128xf32, #tpu.memory_space<hbm>>
    tpu.wait_indirect_dma semaphore(%arg13 : memref<!tpu.dma_semaphore, #tpu.memory_space<semaphore_mem>>) src(%dma_wait3A_68 : memref<5000x128xf32, #tpu.memory_space<hbm>>) dst(%arg11 : memref<128x128xf32, #tpu.memory_space<vmem>>)
    "tpu.region"() ({
      %run_scoped3A = tpu.sem_alloc : memref<!tpu.dma_semaphore, #tpu.memory_space<semaphore_mem>>
      %dma_start3A_137 = arith.constant 0 : i32
      %dma_start3A_138 = tpu.memref_slice %arg7[%add3A_36, %dma_start3A_137] : memref<16384x128xf32, #tpu.memory_space<hbm>> -> memref<128x128xf32, #tpu.memory_space<hbm>>
      %dma_start3A_139 = arith.constant 0 : i32
      %dma_start3A_140 = tpu.memref_slice %arg7[%add3A_36, %dma_start3A_139] : memref<16384x128xf32, #tpu.memory_space<hbm>> -> memref<128x128xf32, #tpu.memory_space<hbm>>
      tpu.enqueue_dma source(%arg11 : memref<128x128xf32, #tpu.memory_space<vmem>>) target(%dma_start3A_140 : memref<128x128xf32, #tpu.memory_space<hbm>>) target_semaphore(%run_scoped3A : memref<!tpu.dma_semaphore, #tpu.memory_space<semaphore_mem>>)
      %dma_wait3A_141 = arith.constant 0 : i32
      %dma_wait3A_142 = tpu.memref_slice %arg7[%add3A_36, %dma_wait3A_141] : memref<16384x128xf32, #tpu.memory_space<hbm>> -> memref<128x128xf32, #tpu.memory_space<hbm>>
      %dma_wait3A_143 = arith.constant 0 : i32
      %dma_wait3A_144 = tpu.memref_slice %arg7[%add3A_36, %dma_wait3A_143] : memref<16384x128xf32, #tpu.memory_space<hbm>> -> memref<128x128xf32, #tpu.memory_space<hbm>>
      tpu.wait_dma2 semaphore(%run_scoped3A : memref<!tpu.dma_semaphore, #tpu.memory_space<semaphore_mem>>) src(%arg11 : memref<128x128xf32, #tpu.memory_space<vmem>>) dst(%dma_wait3A_144 : memref<128x128xf32, #tpu.memory_space<hbm>>)
      tpu.yield
    }) : () -> ()
    %add3A_69 = arith.constant 256 : i32
    %add3A_70 = arith.addi %mul3A_2, %add3A_69 : i32
    %dma_start3A_71 = arith.constant 2 : i32
    %dma_start3A_72 = arith.constant 0 : i32
    %dma_start3A_73 = tpu.memref_slice %arg8[%dma_start3A_71, %dma_start3A_72] : memref<4x128xi32, #tpu.memory_space<vmem>> -> memref<1x128xi32, #tpu.memory_space<vmem>>
    %dma_start3A_74 = tpu.memref_squeeze %dma_start3A_73 : memref<1x128xi32, #tpu.memory_space<vmem>> -> memref<128xi32, #tpu.memory_space<vmem>>
    %dma_start3A_75 = arith.constant 0 : i32
    %dma_start3A_76 = tpu.memref_slice %arg4[%dma_start3A_75] : memref<100000xi32, #tpu.memory_space<hbm>> -> memref<100000xi32, #tpu.memory_space<hbm>>
    tpu.enqueue_indirect_dma source(%dma_start3A_76 : memref<100000xi32, #tpu.memory_space<hbm>>) target(%arg10 : memref<128xi32, #tpu.memory_space<vmem>>) offsets(%dma_start3A_74 : memref<128xi32, #tpu.memory_space<vmem>>) semaphore(%arg13 : memref<!tpu.dma_semaphore, #tpu.memory_space<semaphore_mem>>)
    %dma_start3A_77 = arith.constant 2 : i32
    %dma_start3A_78 = arith.constant 0 : i32
    %dma_start3A_79 = tpu.memref_slice %arg8[%dma_start3A_77, %dma_start3A_78] : memref<4x128xi32, #tpu.memory_space<vmem>> -> memref<1x128xi32, #tpu.memory_space<vmem>>
    %dma_start3A_80 = tpu.memref_squeeze %dma_start3A_79 : memref<1x128xi32, #tpu.memory_space<vmem>> -> memref<128xi32, #tpu.memory_space<vmem>>
    %dma_start3A_81 = arith.constant 0 : i32
    %dma_start3A_82 = arith.constant 0 : i32
    %dma_start3A_83 = tpu.memref_slice %arg3[%dma_start3A_81, %dma_start3A_82] : memref<100000x128xf32, #tpu.memory_space<hbm>> -> memref<100000x128xf32, #tpu.memory_space<hbm>>
    tpu.enqueue_indirect_dma source(%dma_start3A_83 : memref<100000x128xf32, #tpu.memory_space<hbm>>) target(%arg9 : memref<128x128xf32, #tpu.memory_space<vmem>>) offsets(%dma_start3A_80 : memref<128xi32, #tpu.memory_space<vmem>>) semaphore(%arg12 : memref<!tpu.dma_semaphore, #tpu.memory_space<semaphore_mem>>)
    %dma_wait3A_84 = arith.constant 2 : i32
    %dma_wait3A_85 = arith.constant 0 : i32
    %dma_wait3A_86 = tpu.memref_slice %arg8[%dma_wait3A_84, %dma_wait3A_85] : memref<4x128xi32, #tpu.memory_space<vmem>> -> memref<1x128xi32, #tpu.memory_space<vmem>>
    %dma_wait3A_87 = tpu.memref_squeeze %dma_wait3A_86 : memref<1x128xi32, #tpu.memory_space<vmem>> -> memref<128xi32, #tpu.memory_space<vmem>>
    %dma_wait3A_88 = arith.constant 0 : i32
    %dma_wait3A_89 = tpu.memref_slice %arg4[%dma_wait3A_88] : memref<100000xi32, #tpu.memory_space<hbm>> -> memref<100000xi32, #tpu.memory_space<hbm>>
    tpu.wait_indirect_dma semaphore(%arg13 : memref<!tpu.dma_semaphore, #tpu.memory_space<semaphore_mem>>) src(%dma_wait3A_89 : memref<100000xi32, #tpu.memory_space<hbm>>) dst(%arg10 : memref<128xi32, #tpu.memory_space<vmem>>)
    %dma_start3A_90 = arith.constant 0 : i32
    %dma_start3A_91 = arith.constant 0 : i32
    %dma_start3A_92 = tpu.memref_slice %arg5[%dma_start3A_90, %dma_start3A_91] : memref<5000x128xf32, #tpu.memory_space<hbm>> -> memref<5000x128xf32, #tpu.memory_space<hbm>>
    tpu.enqueue_indirect_dma source(%dma_start3A_92 : memref<5000x128xf32, #tpu.memory_space<hbm>>) target(%arg11 : memref<128x128xf32, #tpu.memory_space<vmem>>) offsets(%arg10 : memref<128xi32, #tpu.memory_space<vmem>>) semaphore(%arg13 : memref<!tpu.dma_semaphore, #tpu.memory_space<semaphore_mem>>)
    %dma_wait3A_93 = arith.constant 2 : i32
    %dma_wait3A_94 = arith.constant 0 : i32
    %dma_wait3A_95 = tpu.memref_slice %arg8[%dma_wait3A_93, %dma_wait3A_94] : memref<4x128xi32, #tpu.memory_space<vmem>> -> memref<1x128xi32, #tpu.memory_space<vmem>>
    %dma_wait3A_96 = tpu.memref_squeeze %dma_wait3A_95 : memref<1x128xi32, #tpu.memory_space<vmem>> -> memref<128xi32, #tpu.memory_space<vmem>>
    %dma_wait3A_97 = arith.constant 0 : i32
    %dma_wait3A_98 = arith.constant 0 : i32
    %dma_wait3A_99 = tpu.memref_slice %arg3[%dma_wait3A_97, %dma_wait3A_98] : memref<100000x128xf32, #tpu.memory_space<hbm>> -> memref<100000x128xf32, #tpu.memory_space<hbm>>
    tpu.wait_indirect_dma semaphore(%arg12 : memref<!tpu.dma_semaphore, #tpu.memory_space<semaphore_mem>>) src(%dma_wait3A_99 : memref<100000x128xf32, #tpu.memory_space<hbm>>) dst(%arg9 : memref<128x128xf32, #tpu.memory_space<vmem>>)
    "tpu.region"() ({
      %run_scoped3A = tpu.sem_alloc : memref<!tpu.dma_semaphore, #tpu.memory_space<semaphore_mem>>
      %dma_start3A_137 = arith.constant 0 : i32
      %dma_start3A_138 = tpu.memref_slice %arg6[%add3A_70, %dma_start3A_137] : memref<16384x128xf32, #tpu.memory_space<hbm>> -> memref<128x128xf32, #tpu.memory_space<hbm>>
      %dma_start3A_139 = arith.constant 0 : i32
      %dma_start3A_140 = tpu.memref_slice %arg6[%add3A_70, %dma_start3A_139] : memref<16384x128xf32, #tpu.memory_space<hbm>> -> memref<128x128xf32, #tpu.memory_space<hbm>>
      tpu.enqueue_dma source(%arg9 : memref<128x128xf32, #tpu.memory_space<vmem>>) target(%dma_start3A_140 : memref<128x128xf32, #tpu.memory_space<hbm>>) target_semaphore(%run_scoped3A : memref<!tpu.dma_semaphore, #tpu.memory_space<semaphore_mem>>)
      %dma_wait3A_141 = arith.constant 0 : i32
      %dma_wait3A_142 = tpu.memref_slice %arg6[%add3A_70, %dma_wait3A_141] : memref<16384x128xf32, #tpu.memory_space<hbm>> -> memref<128x128xf32, #tpu.memory_space<hbm>>
      %dma_wait3A_143 = arith.constant 0 : i32
      %dma_wait3A_144 = tpu.memref_slice %arg6[%add3A_70, %dma_wait3A_143] : memref<16384x128xf32, #tpu.memory_space<hbm>> -> memref<128x128xf32, #tpu.memory_space<hbm>>
      tpu.wait_dma2 semaphore(%run_scoped3A : memref<!tpu.dma_semaphore, #tpu.memory_space<semaphore_mem>>) src(%arg9 : memref<128x128xf32, #tpu.memory_space<vmem>>) dst(%dma_wait3A_144 : memref<128x128xf32, #tpu.memory_space<hbm>>)
      tpu.yield
    }) : () -> ()
    %dma_wait3A_100 = arith.constant 0 : i32
    %dma_wait3A_101 = arith.constant 0 : i32
    %dma_wait3A_102 = tpu.memref_slice %arg5[%dma_wait3A_100, %dma_wait3A_101] : memref<5000x128xf32, #tpu.memory_space<hbm>> -> memref<5000x128xf32, #tpu.memory_space<hbm>>
    tpu.wait_indirect_dma semaphore(%arg13 : memref<!tpu.dma_semaphore, #tpu.memory_space<semaphore_mem>>) src(%dma_wait3A_102 : memref<5000x128xf32, #tpu.memory_space<hbm>>) dst(%arg11 : memref<128x128xf32, #tpu.memory_space<vmem>>)
    "tpu.region"() ({
      %run_scoped3A = tpu.sem_alloc : memref<!tpu.dma_semaphore, #tpu.memory_space<semaphore_mem>>
      %dma_start3A_137 = arith.constant 0 : i32
      %dma_start3A_138 = tpu.memref_slice %arg7[%add3A_70, %dma_start3A_137] : memref<16384x128xf32, #tpu.memory_space<hbm>> -> memref<128x128xf32, #tpu.memory_space<hbm>>
      %dma_start3A_139 = arith.constant 0 : i32
      %dma_start3A_140 = tpu.memref_slice %arg7[%add3A_70, %dma_start3A_139] : memref<16384x128xf32, #tpu.memory_space<hbm>> -> memref<128x128xf32, #tpu.memory_space<hbm>>
      tpu.enqueue_dma source(%arg11 : memref<128x128xf32, #tpu.memory_space<vmem>>) target(%dma_start3A_140 : memref<128x128xf32, #tpu.memory_space<hbm>>) target_semaphore(%run_scoped3A : memref<!tpu.dma_semaphore, #tpu.memory_space<semaphore_mem>>)
      %dma_wait3A_141 = arith.constant 0 : i32
      %dma_wait3A_142 = tpu.memref_slice %arg7[%add3A_70, %dma_wait3A_141] : memref<16384x128xf32, #tpu.memory_space<hbm>> -> memref<128x128xf32, #tpu.memory_space<hbm>>
      %dma_wait3A_143 = arith.constant 0 : i32
      %dma_wait3A_144 = tpu.memref_slice %arg7[%add3A_70, %dma_wait3A_143] : memref<16384x128xf32, #tpu.memory_space<hbm>> -> memref<128x128xf32, #tpu.memory_space<hbm>>
      tpu.wait_dma2 semaphore(%run_scoped3A : memref<!tpu.dma_semaphore, #tpu.memory_space<semaphore_mem>>) src(%arg11 : memref<128x128xf32, #tpu.memory_space<vmem>>) dst(%dma_wait3A_144 : memref<128x128xf32, #tpu.memory_space<hbm>>)
      tpu.yield
    }) : () -> ()
    %add3A_103 = arith.constant 384 : i32
    %add3A_104 = arith.addi %mul3A_2, %add3A_103 : i32
    %dma_start3A_105 = arith.constant 3 : i32
    %dma_start3A_106 = arith.constant 0 : i32
    %dma_start3A_107 = tpu.memref_slice %arg8[%dma_start3A_105, %dma_start3A_106] : memref<4x128xi32, #tpu.memory_space<vmem>> -> memref<1x128xi32, #tpu.memory_space<vmem>>
    %dma_start3A_108 = tpu.memref_squeeze %dma_start3A_107 : memref<1x128xi32, #tpu.memory_space<vmem>> -> memref<128xi32, #tpu.memory_space<vmem>>
    %dma_start3A_109 = arith.constant 0 : i32
    %dma_start3A_110 = tpu.memref_slice %arg4[%dma_start3A_109] : memref<100000xi32, #tpu.memory_space<hbm>> -> memref<100000xi32, #tpu.memory_space<hbm>>
    tpu.enqueue_indirect_dma source(%dma_start3A_110 : memref<100000xi32, #tpu.memory_space<hbm>>) target(%arg10 : memref<128xi32, #tpu.memory_space<vmem>>) offsets(%dma_start3A_108 : memref<128xi32, #tpu.memory_space<vmem>>) semaphore(%arg13 : memref<!tpu.dma_semaphore, #tpu.memory_space<semaphore_mem>>)
    %dma_start3A_111 = arith.constant 3 : i32
    %dma_start3A_112 = arith.constant 0 : i32
    %dma_start3A_113 = tpu.memref_slice %arg8[%dma_start3A_111, %dma_start3A_112] : memref<4x128xi32, #tpu.memory_space<vmem>> -> memref<1x128xi32, #tpu.memory_space<vmem>>
    %dma_start3A_114 = tpu.memref_squeeze %dma_start3A_113 : memref<1x128xi32, #tpu.memory_space<vmem>> -> memref<128xi32, #tpu.memory_space<vmem>>
    %dma_start3A_115 = arith.constant 0 : i32
    %dma_start3A_116 = arith.constant 0 : i32
    %dma_start3A_117 = tpu.memref_slice %arg3[%dma_start3A_115, %dma_start3A_116] : memref<100000x128xf32, #tpu.memory_space<hbm>> -> memref<100000x128xf32, #tpu.memory_space<hbm>>
    tpu.enqueue_indirect_dma source(%dma_start3A_117 : memref<100000x128xf32, #tpu.memory_space<hbm>>) target(%arg9 : memref<128x128xf32, #tpu.memory_space<vmem>>) offsets(%dma_start3A_114 : memref<128xi32, #tpu.memory_space<vmem>>) semaphore(%arg12 : memref<!tpu.dma_semaphore, #tpu.memory_space<semaphore_mem>>)
    %dma_wait3A_118 = arith.constant 3 : i32
    %dma_wait3A_119 = arith.constant 0 : i32
    %dma_wait3A_120 = tpu.memref_slice %arg8[%dma_wait3A_118, %dma_wait3A_119] : memref<4x128xi32, #tpu.memory_space<vmem>> -> memref<1x128xi32, #tpu.memory_space<vmem>>
    %dma_wait3A_121 = tpu.memref_squeeze %dma_wait3A_120 : memref<1x128xi32, #tpu.memory_space<vmem>> -> memref<128xi32, #tpu.memory_space<vmem>>
    %dma_wait3A_122 = arith.constant 0 : i32
    %dma_wait3A_123 = tpu.memref_slice %arg4[%dma_wait3A_122] : memref<100000xi32, #tpu.memory_space<hbm>> -> memref<100000xi32, #tpu.memory_space<hbm>>
    tpu.wait_indirect_dma semaphore(%arg13 : memref<!tpu.dma_semaphore, #tpu.memory_space<semaphore_mem>>) src(%dma_wait3A_123 : memref<100000xi32, #tpu.memory_space<hbm>>) dst(%arg10 : memref<128xi32, #tpu.memory_space<vmem>>)
    %dma_start3A_124 = arith.constant 0 : i32
    %dma_start3A_125 = arith.constant 0 : i32
    %dma_start3A_126 = tpu.memref_slice %arg5[%dma_start3A_124, %dma_start3A_125] : memref<5000x128xf32, #tpu.memory_space<hbm>> -> memref<5000x128xf32, #tpu.memory_space<hbm>>
    tpu.enqueue_indirect_dma source(%dma_start3A_126 : memref<5000x128xf32, #tpu.memory_space<hbm>>) target(%arg11 : memref<128x128xf32, #tpu.memory_space<vmem>>) offsets(%arg10 : memref<128xi32, #tpu.memory_space<vmem>>) semaphore(%arg13 : memref<!tpu.dma_semaphore, #tpu.memory_space<semaphore_mem>>)
    %dma_wait3A_127 = arith.constant 3 : i32
    %dma_wait3A_128 = arith.constant 0 : i32
    %dma_wait3A_129 = tpu.memref_slice %arg8[%dma_wait3A_127, %dma_wait3A_128] : memref<4x128xi32, #tpu.memory_space<vmem>> -> memref<1x128xi32, #tpu.memory_space<vmem>>
    %dma_wait3A_130 = tpu.memref_squeeze %dma_wait3A_129 : memref<1x128xi32, #tpu.memory_space<vmem>> -> memref<128xi32, #tpu.memory_space<vmem>>
    %dma_wait3A_131 = arith.constant 0 : i32
    %dma_wait3A_132 = arith.constant 0 : i32
    %dma_wait3A_133 = tpu.memref_slice %arg3[%dma_wait3A_131, %dma_wait3A_132] : memref<100000x128xf32, #tpu.memory_space<hbm>> -> memref<100000x128xf32, #tpu.memory_space<hbm>>
    tpu.wait_indirect_dma semaphore(%arg12 : memref<!tpu.dma_semaphore, #tpu.memory_space<semaphore_mem>>) src(%dma_wait3A_133 : memref<100000x128xf32, #tpu.memory_space<hbm>>) dst(%arg9 : memref<128x128xf32, #tpu.memory_space<vmem>>)
    "tpu.region"() ({
      %run_scoped3A = tpu.sem_alloc : memref<!tpu.dma_semaphore, #tpu.memory_space<semaphore_mem>>
      %dma_start3A_137 = arith.constant 0 : i32
      %dma_start3A_138 = tpu.memref_slice %arg6[%add3A_104, %dma_start3A_137] : memref<16384x128xf32, #tpu.memory_space<hbm>> -> memref<128x128xf32, #tpu.memory_space<hbm>>
      %dma_start3A_139 = arith.constant 0 : i32
      %dma_start3A_140 = tpu.memref_slice %arg6[%add3A_104, %dma_start3A_139] : memref<16384x128xf32, #tpu.memory_space<hbm>> -> memref<128x128xf32, #tpu.memory_space<hbm>>
      tpu.enqueue_dma source(%arg9 : memref<128x128xf32, #tpu.memory_space<vmem>>) target(%dma_start3A_140 : memref<128x128xf32, #tpu.memory_space<hbm>>) target_semaphore(%run_scoped3A : memref<!tpu.dma_semaphore, #tpu.memory_space<semaphore_mem>>)
      %dma_wait3A_141 = arith.constant 0 : i32
      %dma_wait3A_142 = tpu.memref_slice %arg6[%add3A_104, %dma_wait3A_141] : memref<16384x128xf32, #tpu.memory_space<hbm>> -> memref<128x128xf32, #tpu.memory_space<hbm>>
      %dma_wait3A_143 = arith.constant 0 : i32
      %dma_wait3A_144 = tpu.memref_slice %arg6[%add3A_104, %dma_wait3A_143] : memref<16384x128xf32, #tpu.memory_space<hbm>> -> memref<128x128xf32, #tpu.memory_space<hbm>>
      tpu.wait_dma2 semaphore(%run_scoped3A : memref<!tpu.dma_semaphore, #tpu.memory_space<semaphore_mem>>) src(%arg9 : memref<128x128xf32, #tpu.memory_space<vmem>>) dst(%dma_wait3A_144 : memref<128x128xf32, #tpu.memory_space<hbm>>)
      tpu.yield
    }) : () -> ()
    %dma_wait3A_134 = arith.constant 0 : i32
    %dma_wait3A_135 = arith.constant 0 : i32
    %dma_wait3A_136 = tpu.memref_slice %arg5[%dma_wait3A_134, %dma_wait3A_135] : memref<5000x128xf32, #tpu.memory_space<hbm>> -> memref<5000x128xf32, #tpu.memory_space<hbm>>
    tpu.wait_indirect_dma semaphore(%arg13 : memref<!tpu.dma_semaphore, #tpu.memory_space<semaphore_mem>>) src(%dma_wait3A_136 : memref<5000x128xf32, #tpu.memory_space<hbm>>) dst(%arg11 : memref<128x128xf32, #tpu.memory_space<vmem>>)
    "tpu.region"() ({
      %run_scoped3A = tpu.sem_alloc : memref<!tpu.dma_semaphore, #tpu.memory_space<semaphore_mem>>
      %dma_start3A_137 = arith.constant 0 : i32
      %dma_start3A_138 = tpu.memref_slice %arg7[%add3A_104, %dma_start3A_137] : memref<16384x128xf32, #tpu.memory_space<hbm>> -> memref<128x128xf32, #tpu.memory_space<hbm>>
      %dma_start3A_139 = arith.constant 0 : i32
      %dma_start3A_140 = tpu.memref_slice %arg7[%add3A_104, %dma_start3A_139] : memref<16384x128xf32, #tpu.memory_space<hbm>> -> memref<128x128xf32, #tpu.memory_space<hbm>>
      tpu.enqueue_dma source(%arg11 : memref<128x128xf32, #tpu.memory_space<vmem>>) target(%dma_start3A_140 : memref<128x128xf32, #tpu.memory_space<hbm>>) target_semaphore(%run_scoped3A : memref<!tpu.dma_semaphore, #tpu.memory_space<semaphore_mem>>)
      %dma_wait3A_141 = arith.constant 0 : i32
      %dma_wait3A_142 = tpu.memref_slice %arg7[%add3A_104, %dma_wait3A_141] : memref<16384x128xf32, #tpu.memory_space<hbm>> -> memref<128x128xf32, #tpu.memory_space<hbm>>
      %dma_wait3A_143 = arith.constant 0 : i32
      %dma_wait3A_144 = tpu.memref_slice %arg7[%add3A_104, %dma_wait3A_143] : memref<16384x128xf32, #tpu.memory_space<hbm>> -> memref<128x128xf32, #tpu.memory_space<hbm>>
      tpu.wait_dma2 semaphore(%run_scoped3A : memref<!tpu.dma_semaphore, #tpu.memory_space<semaphore_mem>>) src(%arg11 : memref<128x128xf32, #tpu.memory_space<vmem>>) dst(%dma_wait3A_144 : memref<128x128xf32, #tpu.memory_space<hbm>>)
      tpu.yield
    }) : () -> ()
    return
  }
}

#map = affine_map<(d0, d1) -> (0, 0, 0)>
#map1 = affine_map<(d0, d1) -> (0, 0)>
module attributes {stable_mosaic.version = 14 : i64} {
  func.func @_sc_ov_body(%arg0: i32, %arg1: i32, %arg2: memref<32x4x128xi32, #tpu.memory_space<hbm>>, %arg3: memref<100000x384xf32, #tpu.memory_space<hbm>>, %arg4: memref<16384x384xf32, #tpu.memory_space<hbm>>, %arg5: memref<4x128xi32, #tpu.memory_space<vmem>>, %arg6: memref<128x384xf32, #tpu.memory_space<vmem>>, %arg7: memref<128x384xf32, #tpu.memory_space<vmem>>, %arg8: memref<!tpu.dma_semaphore, #tpu.memory_space<semaphore_mem>>, %arg9: memref<!tpu.dma_semaphore, #tpu.memory_space<semaphore_mem>>) attributes {dimension_semantics = [#tpu.dimension_semantics<core_parallel>, #tpu.dimension_semantics<subcore_parallel>], iteration_bounds = array<i64: 2, 16>, scalar_prefetch = 0 : i64, scratch_operands = 5 : i64, tpu.core_type = #tpu.core_type<sc_vector_subcore>, window_params = [{transform_indices = #map}, {transform_indices = #map1}, {transform_indices = #map1}]} {
    %mul3A = arith.constant 2 : i32
    %mul3A_0 = arith.muli %arg1, %mul3A : i32
    %add3A = arith.addi %mul3A_0, %arg0 : i32
    %mul3A_1 = arith.constant 512 : i32
    %mul3A_2 = arith.muli %add3A, %mul3A_1 : i32
    "tpu.region"() ({
      %run_scoped3A = tpu.sem_alloc : memref<!tpu.dma_semaphore, #tpu.memory_space<semaphore_mem>>
      %dma_start3A_65 = arith.constant 0 : i32
      %dma_start3A_66 = arith.constant 0 : i32
      %dma_start3A_67 = tpu.memref_slice %arg2[%add3A, %dma_start3A_65, %dma_start3A_66] : memref<32x4x128xi32, #tpu.memory_space<hbm>> -> memref<1x4x128xi32, #tpu.memory_space<hbm>>
      %dma_start3A_68 = tpu.memref_squeeze %dma_start3A_67 : memref<1x4x128xi32, #tpu.memory_space<hbm>> -> memref<4x128xi32, #tpu.memory_space<hbm>>
      %dma_start3A_69 = arith.constant 0 : i32
      %dma_start3A_70 = arith.constant 0 : i32
      %dma_start3A_71 = tpu.memref_slice %arg2[%add3A, %dma_start3A_69, %dma_start3A_70] : memref<32x4x128xi32, #tpu.memory_space<hbm>> -> memref<1x4x128xi32, #tpu.memory_space<hbm>>
      %dma_start3A_72 = tpu.memref_squeeze %dma_start3A_71 : memref<1x4x128xi32, #tpu.memory_space<hbm>> -> memref<4x128xi32, #tpu.memory_space<hbm>>
      tpu.enqueue_dma source(%dma_start3A_72 : memref<4x128xi32, #tpu.memory_space<hbm>>) target(%arg5 : memref<4x128xi32, #tpu.memory_space<vmem>>) target_semaphore(%run_scoped3A : memref<!tpu.dma_semaphore, #tpu.memory_space<semaphore_mem>>)
      %dma_wait3A_73 = arith.constant 0 : i32
      %dma_wait3A_74 = arith.constant 0 : i32
      %dma_wait3A_75 = tpu.memref_slice %arg2[%add3A, %dma_wait3A_73, %dma_wait3A_74] : memref<32x4x128xi32, #tpu.memory_space<hbm>> -> memref<1x4x128xi32, #tpu.memory_space<hbm>>
      %dma_wait3A_76 = tpu.memref_squeeze %dma_wait3A_75 : memref<1x4x128xi32, #tpu.memory_space<hbm>> -> memref<4x128xi32, #tpu.memory_space<hbm>>
      %dma_wait3A_77 = arith.constant 0 : i32
      %dma_wait3A_78 = arith.constant 0 : i32
      %dma_wait3A_79 = tpu.memref_slice %arg2[%add3A, %dma_wait3A_77, %dma_wait3A_78] : memref<32x4x128xi32, #tpu.memory_space<hbm>> -> memref<1x4x128xi32, #tpu.memory_space<hbm>>
      %dma_wait3A_80 = tpu.memref_squeeze %dma_wait3A_79 : memref<1x4x128xi32, #tpu.memory_space<hbm>> -> memref<4x128xi32, #tpu.memory_space<hbm>>
      tpu.wait_dma2 semaphore(%run_scoped3A : memref<!tpu.dma_semaphore, #tpu.memory_space<semaphore_mem>>) src(%dma_wait3A_80 : memref<4x128xi32, #tpu.memory_space<hbm>>) dst(%arg5 : memref<4x128xi32, #tpu.memory_space<vmem>>)
      tpu.yield
    }) : () -> ()
    %dma_start3A = arith.constant 0 : i32
    %dma_start3A_3 = arith.constant 0 : i32
    %dma_start3A_4 = tpu.memref_slice %arg5[%dma_start3A, %dma_start3A_3] : memref<4x128xi32, #tpu.memory_space<vmem>> -> memref<1x128xi32, #tpu.memory_space<vmem>>
    %dma_start3A_5 = tpu.memref_squeeze %dma_start3A_4 : memref<1x128xi32, #tpu.memory_space<vmem>> -> memref<128xi32, #tpu.memory_space<vmem>>
    %dma_start3A_6 = arith.constant 0 : i32
    %dma_start3A_7 = arith.constant 0 : i32
    %dma_start3A_8 = tpu.memref_slice %arg3[%dma_start3A_6, %dma_start3A_7] : memref<100000x384xf32, #tpu.memory_space<hbm>> -> memref<100000x384xf32, #tpu.memory_space<hbm>>
    tpu.enqueue_indirect_dma source(%dma_start3A_8 : memref<100000x384xf32, #tpu.memory_space<hbm>>) target(%arg6 : memref<128x384xf32, #tpu.memory_space<vmem>>) offsets(%dma_start3A_5 : memref<128xi32, #tpu.memory_space<vmem>>) semaphore(%arg8 : memref<!tpu.dma_semaphore, #tpu.memory_space<semaphore_mem>>)
    %dma_start3A_9 = arith.constant 1 : i32
    %dma_start3A_10 = arith.constant 0 : i32
    %dma_start3A_11 = tpu.memref_slice %arg5[%dma_start3A_9, %dma_start3A_10] : memref<4x128xi32, #tpu.memory_space<vmem>> -> memref<1x128xi32, #tpu.memory_space<vmem>>
    %dma_start3A_12 = tpu.memref_squeeze %dma_start3A_11 : memref<1x128xi32, #tpu.memory_space<vmem>> -> memref<128xi32, #tpu.memory_space<vmem>>
    %dma_start3A_13 = arith.constant 0 : i32
    %dma_start3A_14 = arith.constant 0 : i32
    %dma_start3A_15 = tpu.memref_slice %arg3[%dma_start3A_13, %dma_start3A_14] : memref<100000x384xf32, #tpu.memory_space<hbm>> -> memref<100000x384xf32, #tpu.memory_space<hbm>>
    tpu.enqueue_indirect_dma source(%dma_start3A_15 : memref<100000x384xf32, #tpu.memory_space<hbm>>) target(%arg7 : memref<128x384xf32, #tpu.memory_space<vmem>>) offsets(%dma_start3A_12 : memref<128xi32, #tpu.memory_space<vmem>>) semaphore(%arg9 : memref<!tpu.dma_semaphore, #tpu.memory_space<semaphore_mem>>)
    %dma_wait3A = arith.constant 0 : i32
    %dma_wait3A_16 = arith.constant 0 : i32
    %dma_wait3A_17 = tpu.memref_slice %arg5[%dma_wait3A, %dma_wait3A_16] : memref<4x128xi32, #tpu.memory_space<vmem>> -> memref<1x128xi32, #tpu.memory_space<vmem>>
    %dma_wait3A_18 = tpu.memref_squeeze %dma_wait3A_17 : memref<1x128xi32, #tpu.memory_space<vmem>> -> memref<128xi32, #tpu.memory_space<vmem>>
    %dma_wait3A_19 = arith.constant 0 : i32
    %dma_wait3A_20 = arith.constant 0 : i32
    %dma_wait3A_21 = tpu.memref_slice %arg3[%dma_wait3A_19, %dma_wait3A_20] : memref<100000x384xf32, #tpu.memory_space<hbm>> -> memref<100000x384xf32, #tpu.memory_space<hbm>>
    tpu.wait_indirect_dma semaphore(%arg8 : memref<!tpu.dma_semaphore, #tpu.memory_space<semaphore_mem>>) src(%dma_wait3A_21 : memref<100000x384xf32, #tpu.memory_space<hbm>>) dst(%arg6 : memref<128x384xf32, #tpu.memory_space<vmem>>)
    %add3A_22 = arith.constant 0 : i32
    %add3A_23 = arith.addi %mul3A_2, %add3A_22 : i32
    "tpu.region"() ({
      %run_scoped3A = tpu.sem_alloc : memref<!tpu.dma_semaphore, #tpu.memory_space<semaphore_mem>>
      %dma_start3A_65 = arith.constant 0 : i32
      %dma_start3A_66 = tpu.memref_slice %arg4[%add3A_23, %dma_start3A_65] : memref<16384x384xf32, #tpu.memory_space<hbm>> -> memref<128x384xf32, #tpu.memory_space<hbm>>
      %dma_start3A_67 = arith.constant 0 : i32
      %dma_start3A_68 = tpu.memref_slice %arg4[%add3A_23, %dma_start3A_67] : memref<16384x384xf32, #tpu.memory_space<hbm>> -> memref<128x384xf32, #tpu.memory_space<hbm>>
      tpu.enqueue_dma source(%arg6 : memref<128x384xf32, #tpu.memory_space<vmem>>) target(%dma_start3A_68 : memref<128x384xf32, #tpu.memory_space<hbm>>) target_semaphore(%run_scoped3A : memref<!tpu.dma_semaphore, #tpu.memory_space<semaphore_mem>>)
      %dma_wait3A_69 = arith.constant 0 : i32
      %dma_wait3A_70 = tpu.memref_slice %arg4[%add3A_23, %dma_wait3A_69] : memref<16384x384xf32, #tpu.memory_space<hbm>> -> memref<128x384xf32, #tpu.memory_space<hbm>>
      %dma_wait3A_71 = arith.constant 0 : i32
      %dma_wait3A_72 = tpu.memref_slice %arg4[%add3A_23, %dma_wait3A_71] : memref<16384x384xf32, #tpu.memory_space<hbm>> -> memref<128x384xf32, #tpu.memory_space<hbm>>
      tpu.wait_dma2 semaphore(%run_scoped3A : memref<!tpu.dma_semaphore, #tpu.memory_space<semaphore_mem>>) src(%arg6 : memref<128x384xf32, #tpu.memory_space<vmem>>) dst(%dma_wait3A_72 : memref<128x384xf32, #tpu.memory_space<hbm>>)
      tpu.yield
    }) : () -> ()
    %dma_start3A_24 = arith.constant 2 : i32
    %dma_start3A_25 = arith.constant 0 : i32
    %dma_start3A_26 = tpu.memref_slice %arg5[%dma_start3A_24, %dma_start3A_25] : memref<4x128xi32, #tpu.memory_space<vmem>> -> memref<1x128xi32, #tpu.memory_space<vmem>>
    %dma_start3A_27 = tpu.memref_squeeze %dma_start3A_26 : memref<1x128xi32, #tpu.memory_space<vmem>> -> memref<128xi32, #tpu.memory_space<vmem>>
    %dma_start3A_28 = arith.constant 0 : i32
    %dma_start3A_29 = arith.constant 0 : i32
    %dma_start3A_30 = tpu.memref_slice %arg3[%dma_start3A_28, %dma_start3A_29] : memref<100000x384xf32, #tpu.memory_space<hbm>> -> memref<100000x384xf32, #tpu.memory_space<hbm>>
    tpu.enqueue_indirect_dma source(%dma_start3A_30 : memref<100000x384xf32, #tpu.memory_space<hbm>>) target(%arg6 : memref<128x384xf32, #tpu.memory_space<vmem>>) offsets(%dma_start3A_27 : memref<128xi32, #tpu.memory_space<vmem>>) semaphore(%arg8 : memref<!tpu.dma_semaphore, #tpu.memory_space<semaphore_mem>>)
    %dma_wait3A_31 = arith.constant 1 : i32
    %dma_wait3A_32 = arith.constant 0 : i32
    %dma_wait3A_33 = tpu.memref_slice %arg5[%dma_wait3A_31, %dma_wait3A_32] : memref<4x128xi32, #tpu.memory_space<vmem>> -> memref<1x128xi32, #tpu.memory_space<vmem>>
    %dma_wait3A_34 = tpu.memref_squeeze %dma_wait3A_33 : memref<1x128xi32, #tpu.memory_space<vmem>> -> memref<128xi32, #tpu.memory_space<vmem>>
    %dma_wait3A_35 = arith.constant 0 : i32
    %dma_wait3A_36 = arith.constant 0 : i32
    %dma_wait3A_37 = tpu.memref_slice %arg3[%dma_wait3A_35, %dma_wait3A_36] : memref<100000x384xf32, #tpu.memory_space<hbm>> -> memref<100000x384xf32, #tpu.memory_space<hbm>>
    tpu.wait_indirect_dma semaphore(%arg9 : memref<!tpu.dma_semaphore, #tpu.memory_space<semaphore_mem>>) src(%dma_wait3A_37 : memref<100000x384xf32, #tpu.memory_space<hbm>>) dst(%arg7 : memref<128x384xf32, #tpu.memory_space<vmem>>)
    %add3A_38 = arith.constant 128 : i32
    %add3A_39 = arith.addi %mul3A_2, %add3A_38 : i32
    "tpu.region"() ({
      %run_scoped3A = tpu.sem_alloc : memref<!tpu.dma_semaphore, #tpu.memory_space<semaphore_mem>>
      %dma_start3A_65 = arith.constant 0 : i32
      %dma_start3A_66 = tpu.memref_slice %arg4[%add3A_39, %dma_start3A_65] : memref<16384x384xf32, #tpu.memory_space<hbm>> -> memref<128x384xf32, #tpu.memory_space<hbm>>
      %dma_start3A_67 = arith.constant 0 : i32
      %dma_start3A_68 = tpu.memref_slice %arg4[%add3A_39, %dma_start3A_67] : memref<16384x384xf32, #tpu.memory_space<hbm>> -> memref<128x384xf32, #tpu.memory_space<hbm>>
      tpu.enqueue_dma source(%arg7 : memref<128x384xf32, #tpu.memory_space<vmem>>) target(%dma_start3A_68 : memref<128x384xf32, #tpu.memory_space<hbm>>) target_semaphore(%run_scoped3A : memref<!tpu.dma_semaphore, #tpu.memory_space<semaphore_mem>>)
      %dma_wait3A_69 = arith.constant 0 : i32
      %dma_wait3A_70 = tpu.memref_slice %arg4[%add3A_39, %dma_wait3A_69] : memref<16384x384xf32, #tpu.memory_space<hbm>> -> memref<128x384xf32, #tpu.memory_space<hbm>>
      %dma_wait3A_71 = arith.constant 0 : i32
      %dma_wait3A_72 = tpu.memref_slice %arg4[%add3A_39, %dma_wait3A_71] : memref<16384x384xf32, #tpu.memory_space<hbm>> -> memref<128x384xf32, #tpu.memory_space<hbm>>
      tpu.wait_dma2 semaphore(%run_scoped3A : memref<!tpu.dma_semaphore, #tpu.memory_space<semaphore_mem>>) src(%arg7 : memref<128x384xf32, #tpu.memory_space<vmem>>) dst(%dma_wait3A_72 : memref<128x384xf32, #tpu.memory_space<hbm>>)
      tpu.yield
    }) : () -> ()
    %dma_start3A_40 = arith.constant 3 : i32
    %dma_start3A_41 = arith.constant 0 : i32
    %dma_start3A_42 = tpu.memref_slice %arg5[%dma_start3A_40, %dma_start3A_41] : memref<4x128xi32, #tpu.memory_space<vmem>> -> memref<1x128xi32, #tpu.memory_space<vmem>>
    %dma_start3A_43 = tpu.memref_squeeze %dma_start3A_42 : memref<1x128xi32, #tpu.memory_space<vmem>> -> memref<128xi32, #tpu.memory_space<vmem>>
    %dma_start3A_44 = arith.constant 0 : i32
    %dma_start3A_45 = arith.constant 0 : i32
    %dma_start3A_46 = tpu.memref_slice %arg3[%dma_start3A_44, %dma_start3A_45] : memref<100000x384xf32, #tpu.memory_space<hbm>> -> memref<100000x384xf32, #tpu.memory_space<hbm>>
    tpu.enqueue_indirect_dma source(%dma_start3A_46 : memref<100000x384xf32, #tpu.memory_space<hbm>>) target(%arg7 : memref<128x384xf32, #tpu.memory_space<vmem>>) offsets(%dma_start3A_43 : memref<128xi32, #tpu.memory_space<vmem>>) semaphore(%arg9 : memref<!tpu.dma_semaphore, #tpu.memory_space<semaphore_mem>>)
    %dma_wait3A_47 = arith.constant 2 : i32
    %dma_wait3A_48 = arith.constant 0 : i32
    %dma_wait3A_49 = tpu.memref_slice %arg5[%dma_wait3A_47, %dma_wait3A_48] : memref<4x128xi32, #tpu.memory_space<vmem>> -> memref<1x128xi32, #tpu.memory_space<vmem>>
    %dma_wait3A_50 = tpu.memref_squeeze %dma_wait3A_49 : memref<1x128xi32, #tpu.memory_space<vmem>> -> memref<128xi32, #tpu.memory_space<vmem>>
    %dma_wait3A_51 = arith.constant 0 : i32
    %dma_wait3A_52 = arith.constant 0 : i32
    %dma_wait3A_53 = tpu.memref_slice %arg3[%dma_wait3A_51, %dma_wait3A_52] : memref<100000x384xf32, #tpu.memory_space<hbm>> -> memref<100000x384xf32, #tpu.memory_space<hbm>>
    tpu.wait_indirect_dma semaphore(%arg8 : memref<!tpu.dma_semaphore, #tpu.memory_space<semaphore_mem>>) src(%dma_wait3A_53 : memref<100000x384xf32, #tpu.memory_space<hbm>>) dst(%arg6 : memref<128x384xf32, #tpu.memory_space<vmem>>)
    %add3A_54 = arith.constant 256 : i32
    %add3A_55 = arith.addi %mul3A_2, %add3A_54 : i32
    "tpu.region"() ({
      %run_scoped3A = tpu.sem_alloc : memref<!tpu.dma_semaphore, #tpu.memory_space<semaphore_mem>>
      %dma_start3A_65 = arith.constant 0 : i32
      %dma_start3A_66 = tpu.memref_slice %arg4[%add3A_55, %dma_start3A_65] : memref<16384x384xf32, #tpu.memory_space<hbm>> -> memref<128x384xf32, #tpu.memory_space<hbm>>
      %dma_start3A_67 = arith.constant 0 : i32
      %dma_start3A_68 = tpu.memref_slice %arg4[%add3A_55, %dma_start3A_67] : memref<16384x384xf32, #tpu.memory_space<hbm>> -> memref<128x384xf32, #tpu.memory_space<hbm>>
      tpu.enqueue_dma source(%arg6 : memref<128x384xf32, #tpu.memory_space<vmem>>) target(%dma_start3A_68 : memref<128x384xf32, #tpu.memory_space<hbm>>) target_semaphore(%run_scoped3A : memref<!tpu.dma_semaphore, #tpu.memory_space<semaphore_mem>>)
      %dma_wait3A_69 = arith.constant 0 : i32
      %dma_wait3A_70 = tpu.memref_slice %arg4[%add3A_55, %dma_wait3A_69] : memref<16384x384xf32, #tpu.memory_space<hbm>> -> memref<128x384xf32, #tpu.memory_space<hbm>>
      %dma_wait3A_71 = arith.constant 0 : i32
      %dma_wait3A_72 = tpu.memref_slice %arg4[%add3A_55, %dma_wait3A_71] : memref<16384x384xf32, #tpu.memory_space<hbm>> -> memref<128x384xf32, #tpu.memory_space<hbm>>
      tpu.wait_dma2 semaphore(%run_scoped3A : memref<!tpu.dma_semaphore, #tpu.memory_space<semaphore_mem>>) src(%arg6 : memref<128x384xf32, #tpu.memory_space<vmem>>) dst(%dma_wait3A_72 : memref<128x384xf32, #tpu.memory_space<hbm>>)
      tpu.yield
    }) : () -> ()
    %dma_wait3A_56 = arith.constant 3 : i32
    %dma_wait3A_57 = arith.constant 0 : i32
    %dma_wait3A_58 = tpu.memref_slice %arg5[%dma_wait3A_56, %dma_wait3A_57] : memref<4x128xi32, #tpu.memory_space<vmem>> -> memref<1x128xi32, #tpu.memory_space<vmem>>
    %dma_wait3A_59 = tpu.memref_squeeze %dma_wait3A_58 : memref<1x128xi32, #tpu.memory_space<vmem>> -> memref<128xi32, #tpu.memory_space<vmem>>
    %dma_wait3A_60 = arith.constant 0 : i32
    %dma_wait3A_61 = arith.constant 0 : i32
    %dma_wait3A_62 = tpu.memref_slice %arg3[%dma_wait3A_60, %dma_wait3A_61] : memref<100000x384xf32, #tpu.memory_space<hbm>> -> memref<100000x384xf32, #tpu.memory_space<hbm>>
    tpu.wait_indirect_dma semaphore(%arg9 : memref<!tpu.dma_semaphore, #tpu.memory_space<semaphore_mem>>) src(%dma_wait3A_62 : memref<100000x384xf32, #tpu.memory_space<hbm>>) dst(%arg7 : memref<128x384xf32, #tpu.memory_space<vmem>>)
    %add3A_63 = arith.constant 384 : i32
    %add3A_64 = arith.addi %mul3A_2, %add3A_63 : i32
    "tpu.region"() ({
      %run_scoped3A = tpu.sem_alloc : memref<!tpu.dma_semaphore, #tpu.memory_space<semaphore_mem>>
      %dma_start3A_65 = arith.constant 0 : i32
      %dma_start3A_66 = tpu.memref_slice %arg4[%add3A_64, %dma_start3A_65] : memref<16384x384xf32, #tpu.memory_space<hbm>> -> memref<128x384xf32, #tpu.memory_space<hbm>>
      %dma_start3A_67 = arith.constant 0 : i32
      %dma_start3A_68 = tpu.memref_slice %arg4[%add3A_64, %dma_start3A_67] : memref<16384x384xf32, #tpu.memory_space<hbm>> -> memref<128x384xf32, #tpu.memory_space<hbm>>
      tpu.enqueue_dma source(%arg7 : memref<128x384xf32, #tpu.memory_space<vmem>>) target(%dma_start3A_68 : memref<128x384xf32, #tpu.memory_space<hbm>>) target_semaphore(%run_scoped3A : memref<!tpu.dma_semaphore, #tpu.memory_space<semaphore_mem>>)
      %dma_wait3A_69 = arith.constant 0 : i32
      %dma_wait3A_70 = tpu.memref_slice %arg4[%add3A_64, %dma_wait3A_69] : memref<16384x384xf32, #tpu.memory_space<hbm>> -> memref<128x384xf32, #tpu.memory_space<hbm>>
      %dma_wait3A_71 = arith.constant 0 : i32
      %dma_wait3A_72 = tpu.memref_slice %arg4[%add3A_64, %dma_wait3A_71] : memref<16384x384xf32, #tpu.memory_space<hbm>> -> memref<128x384xf32, #tpu.memory_space<hbm>>
      tpu.wait_dma2 semaphore(%run_scoped3A : memref<!tpu.dma_semaphore, #tpu.memory_space<semaphore_mem>>) src(%arg7 : memref<128x384xf32, #tpu.memory_space<vmem>>) dst(%dma_wait3A_72 : memref<128x384xf32, #tpu.memory_space<hbm>>)
      tpu.yield
    }) : () -> ()
    return
  }
}

module attributes {stable_mosaic.version = 14 : i64} {
  func.func @_tc_mlp_body(%arg0: i32, %arg1: memref<1024x384xf32, #tpu.memory_space<vmem>>, %arg2: memref<1024x128xf32, #tpu.memory_space<vmem>>, %arg3: memref<1024x128xf32, #tpu.memory_space<vmem>>, %arg4: memref<1024x2xi32, #tpu.memory_space<vmem>>, %arg5: memref<128x64xf32, #tpu.memory_space<vmem>>, %arg6: memref<128x64xf32, #tpu.memory_space<vmem>>, %arg7: memref<384x64xf32, #tpu.memory_space<vmem>>, %arg8: memref<1x64xf32, #tpu.memory_space<vmem>>, %arg9: memref<1x64xf32, #tpu.memory_space<vmem>>, %arg10: memref<64x64xf32, #tpu.memory_space<vmem>>, %arg11: memref<1x64xf32, #tpu.memory_space<vmem>>, %arg12: memref<1024x64xf32, #tpu.memory_space<vmem>>) attributes {dimension_semantics = [#tpu.dimension_semantics<arbitrary>], iteration_bounds = array<i64: 16>, scalar_prefetch = 0 : i64, scratch_operands = 0 : i64, tpu.core_type = #tpu.core_type<tc>, window_params = [{transform_indices = @transform_0, window_bounds = array<i64: 1024, 384>}, {transform_indices = @transform_1, window_bounds = array<i64: 1024, 128>}, {transform_indices = @transform_2, window_bounds = array<i64: 1024, 128>}, {transform_indices = @transform_3, window_bounds = array<i64: 1024, 2>}, {pipeline_mode = #tpu.pipeline_mode<synchronous>, transform_indices = @transform_4, window_bounds = array<i64: 128, 64>}, {pipeline_mode = #tpu.pipeline_mode<synchronous>, transform_indices = @transform_5, window_bounds = array<i64: 128, 64>}, {pipeline_mode = #tpu.pipeline_mode<synchronous>, transform_indices = @transform_6, window_bounds = array<i64: 384, 64>}, {pipeline_mode = #tpu.pipeline_mode<synchronous>, transform_indices = @transform_7, window_bounds = array<i64: 1, 64>}, {pipeline_mode = #tpu.pipeline_mode<synchronous>, transform_indices = @transform_8, window_bounds = array<i64: 1, 64>}, {pipeline_mode = #tpu.pipeline_mode<synchronous>, transform_indices = @transform_9, window_bounds = array<i64: 64, 64>}, {pipeline_mode = #tpu.pipeline_mode<synchronous>, transform_indices = @transform_10, window_bounds = array<i64: 1, 64>}, {transform_indices = @transform_11, window_bounds = array<i64: 1024, 64>}]} {
    %get3A = arith.constant 0 : index
    %get3A_0 = arith.constant 0 : index
    %get3A_1 = vector.load %arg2[%get3A, %get3A_0] : memref<1024x128xf32, #tpu.memory_space<vmem>>, vector<1024x128xf32>
    %slice3A = vector.extract_strided_slice %get3A_1 {offsets = [0, 84], sizes = [1024, 1], strides = [1, 1]} : vector<1024x128xf32> to vector<1024x1xf32>
    %bitcast_convert_type3A = tpu.bitcast %slice3A : vector<1024x1xf32> -> vector<1024x1xi32>
    %slice3A_2 = vector.extract_strided_slice %get3A_1 {offsets = [0, 85], sizes = [1024, 1], strides = [1, 1]} : vector<1024x128xf32> to vector<1024x1xf32>
    %bitcast_convert_type3A_3 = tpu.bitcast %slice3A_2 : vector<1024x1xf32> -> vector<1024x1xi32>
    %get3A_4 = arith.constant 0 : index
    %get3A_5 = arith.constant 0 : index
    %get3A_6 = vector.load %arg4[%get3A_4, %get3A_5] : memref<1024x2xi32, #tpu.memory_space<vmem>>, vector<1024x2xi32>
    %slice3A_7 = vector.extract_strided_slice %get3A_6 {offsets = [0, 0], sizes = [1024, 1], strides = [1, 1]} : vector<1024x2xi32> to vector<1024x1xi32>
    %slice3A_8 = vector.extract_strided_slice %get3A_6 {offsets = [0, 1], sizes = [1024, 1], strides = [1, 1]} : vector<1024x2xi32> to vector<1024x1xi32>
    %convert_element_type3A = arith.sitofp %slice3A_7 : vector<1024x1xi32> to vector<1024x1xf32>
    %lt3A = arith.constant 0 : i32
    %lt3A_9 = vector.broadcast %lt3A : i32 to vector<1024x1xi32>
    %lt3A_10 = arith.cmpi slt, %slice3A_7, %lt3A_9 : vector<1024x1xi32>
    %jit3A = arith.constant 4.2949673E+9 : f32
    %jit3A_11 = arith.constant 0.000000e+00 : f32
    %broadcast_in_dim3A = vector.broadcast %jit3A : f32 to vector<1024x1xf32>
    %broadcast_in_dim3A_12 = vector.broadcast %jit3A_11 : f32 to vector<1024x1xf32>
    %select_n3A = arith.select %lt3A_10, %broadcast_in_dim3A, %broadcast_in_dim3A_12 : vector<1024x1xi1>, vector<1024x1xf32>
    %add3A = arith.addf %convert_element_type3A, %select_n3A : vector<1024x1xf32>
    %convert_element_type3A_13 = arith.sitofp %slice3A_8 : vector<1024x1xi32> to vector<1024x1xf32>
    %mul3A = arith.constant 4.2949673E+9 : f32
    %mul3A_14 = vector.broadcast %mul3A : f32 to vector<1024x1xf32>
    %mul3A_15 = arith.mulf %convert_element_type3A_13, %mul3A_14 : vector<1024x1xf32>
    %add3A_16 = arith.addf %mul3A_15, %add3A : vector<1024x1xf32>
    %convert_element_type3A_17 = arith.sitofp %bitcast_convert_type3A : vector<1024x1xi32> to vector<1024x1xf32>
    %lt3A_18 = arith.constant 0 : i32
    %lt3A_19 = vector.broadcast %lt3A_18 : i32 to vector<1024x1xi32>
    %lt3A_20 = arith.cmpi slt, %bitcast_convert_type3A, %lt3A_19 : vector<1024x1xi32>
    %jit3A_21 = arith.constant 4.2949673E+9 : f32
    %jit3A_22 = arith.constant 0.000000e+00 : f32
    %broadcast_in_dim3A_23 = vector.broadcast %jit3A_21 : f32 to vector<1024x1xf32>
    %broadcast_in_dim3A_24 = vector.broadcast %jit3A_22 : f32 to vector<1024x1xf32>
    %select_n3A_25 = arith.select %lt3A_20, %broadcast_in_dim3A_23, %broadcast_in_dim3A_24 : vector<1024x1xi1>, vector<1024x1xf32>
    %add3A_26 = arith.addf %convert_element_type3A_17, %select_n3A_25 : vector<1024x1xf32>
    %convert_element_type3A_27 = arith.sitofp %bitcast_convert_type3A_3 : vector<1024x1xi32> to vector<1024x1xf32>
    %mul3A_28 = arith.constant 4.2949673E+9 : f32
    %mul3A_29 = vector.broadcast %mul3A_28 : f32 to vector<1024x1xf32>
    %mul3A_30 = arith.mulf %convert_element_type3A_27, %mul3A_29 : vector<1024x1xf32>
    %add3A_31 = arith.addf %mul3A_30, %add3A_26 : vector<1024x1xf32>
    %sub3A = arith.subf %add3A_16, %add3A_31 : vector<1024x1xf32>
    %mul3A_32 = arith.constant 1.15740742E-14 : f32
    %mul3A_33 = vector.broadcast %mul3A_32 : f32 to vector<1024x1xf32>
    %mul3A_34 = arith.mulf %sub3A, %mul3A_33 : vector<1024x1xf32>
    %floor3A = math.floor %mul3A_34 : vector<1024x1xf32>
    %max3A = arith.constant 1.000000e+00 : f32
    %max3A_35 = vector.broadcast %max3A : f32 to vector<1024x1xf32>
    %max3A_36 = arith.maximumf %floor3A, %max3A_35 : vector<1024x1xf32>
    %log3A = math.log %max3A_36 : vector<1024x1xf32>
    %min3A = arith.constant 1.000000e+01 : f32
    %min3A_37 = vector.broadcast %min3A : f32 to vector<1024x1xf32>
    %min3A_38 = arith.minimumf %log3A, %min3A_37 : vector<1024x1xf32>
    %sub3A_39 = arith.constant 5.000000e+00 : f32
    %sub3A_40 = vector.broadcast %sub3A_39 : f32 to vector<1024x1xf32>
    %sub3A_41 = arith.subf %min3A_38, %sub3A_40 : vector<1024x1xf32>
    %div3A = arith.constant 5.000000e+00 : f32
    %div3A_42 = vector.broadcast %div3A : f32 to vector<1024x1xf32>
    %div3A_43 = arith.divf %sub3A_41, %div3A_42 : vector<1024x1xf32>
    %get3A_44 = arith.constant 0 : index
    %get3A_45 = arith.constant 0 : index
    %get3A_46 = vector.load %arg5[%get3A_44, %get3A_45] : memref<128x64xf32, #tpu.memory_space<vmem>>, vector<128x64xf32>
    %dot_general3A = arith.constant dense<0.000000e+00> : vector<1024x64xf32>
    %dot_general3A_47 = tpu.matmul %get3A_1, %get3A_46, %dot_general3A {dimension_numbers = #tpu.dot_dimension_numbers<[1], [0], [0], [1], [0, 0, 1, 1], [], []>, transpose_lhs_hint = false} : vector<1024x128xf32>, vector<128x64xf32>, vector<1024x64xf32> -> vector<1024x64xf32>
    %get3A_48 = arith.constant 0 : index
    %get3A_49 = arith.constant 0 : index
    %get3A_50 = vector.load %arg3[%get3A_48, %get3A_49] : memref<1024x128xf32, #tpu.memory_space<vmem>>, vector<1024x128xf32>
    %get3A_51 = arith.constant 0 : index
    %get3A_52 = arith.constant 0 : index
    %get3A_53 = vector.load %arg6[%get3A_51, %get3A_52] : memref<128x64xf32, #tpu.memory_space<vmem>>, vector<128x64xf32>
    %dot_general3A_54 = arith.constant dense<0.000000e+00> : vector<1024x64xf32>
    %dot_general3A_55 = tpu.matmul %get3A_50, %get3A_53, %dot_general3A_54 {dimension_numbers = #tpu.dot_dimension_numbers<[1], [0], [0], [1], [0, 0, 1, 1], [], []>, transpose_lhs_hint = false} : vector<1024x128xf32>, vector<128x64xf32>, vector<1024x64xf32> -> vector<1024x64xf32>
    %add3A_56 = arith.addf %dot_general3A_47, %dot_general3A_55 : vector<1024x64xf32>
    %get3A_57 = arith.constant 0 : index
    %get3A_58 = arith.constant 0 : index
    %get3A_59 = vector.load %arg1[%get3A_57, %get3A_58] : memref<1024x384xf32, #tpu.memory_space<vmem>>, vector<1024x384xf32>
    %get3A_60 = arith.constant 0 : index
    %get3A_61 = arith.constant 0 : index
    %get3A_62 = vector.load %arg7[%get3A_60, %get3A_61] : memref<384x64xf32, #tpu.memory_space<vmem>>, vector<384x64xf32>
    %dot_general3A_63 = arith.constant dense<0.000000e+00> : vector<1024x64xf32>
    %dot_general3A_64 = tpu.matmul %get3A_59, %get3A_62, %dot_general3A_63 {dimension_numbers = #tpu.dot_dimension_numbers<[1], [0], [0], [1], [0, 0, 1, 1], [], []>, transpose_lhs_hint = false} : vector<1024x384xf32>, vector<384x64xf32>, vector<1024x64xf32> -> vector<1024x64xf32>
    %add3A_65 = arith.addf %add3A_56, %dot_general3A_64 : vector<1024x64xf32>
    %get3A_66 = arith.constant 0 : index
    %get3A_67 = arith.constant 0 : index
    %get3A_68 = vector.load %arg8[%get3A_66, %get3A_67] : memref<1x64xf32, #tpu.memory_space<vmem>>, vector<1x64xf32>
    %mul3A_69 = vector.broadcast %div3A_43 : vector<1024x1xf32> to vector<1024x64xf32>
    %mul3A_70 = vector.broadcast %get3A_68 : vector<1x64xf32> to vector<1024x64xf32>
    %mul3A_71 = arith.mulf %mul3A_69, %mul3A_70 : vector<1024x64xf32>
    %add3A_72 = arith.addf %add3A_65, %mul3A_71 : vector<1024x64xf32>
    %get3A_73 = arith.constant 0 : index
    %get3A_74 = arith.constant 0 : index
    %get3A_75 = vector.load %arg9[%get3A_73, %get3A_74] : memref<1x64xf32, #tpu.memory_space<vmem>>, vector<1x64xf32>
    %add3A_76 = vector.broadcast %get3A_75 : vector<1x64xf32> to vector<1024x64xf32>
    %add3A_77 = arith.addf %add3A_72, %add3A_76 : vector<1024x64xf32>
    %max3A_78 = arith.constant 0.000000e+00 : f32
    %max3A_79 = vector.broadcast %max3A_78 : f32 to vector<1024x64xf32>
    %max3A_80 = arith.maximumf %add3A_77, %max3A_79 : vector<1024x64xf32>
    %get3A_81 = arith.constant 0 : index
    %get3A_82 = arith.constant 0 : index
    %get3A_83 = vector.load %arg10[%get3A_81, %get3A_82] : memref<64x64xf32, #tpu.memory_space<vmem>>, vector<64x64xf32>
    %dot_general3A_84 = arith.constant dense<0.000000e+00> : vector<1024x64xf32>
    %dot_general3A_85 = tpu.matmul %max3A_80, %get3A_83, %dot_general3A_84 {dimension_numbers = #tpu.dot_dimension_numbers<[1], [0], [0], [1], [0, 0, 1, 1], [], []>, transpose_lhs_hint = false} : vector<1024x64xf32>, vector<64x64xf32>, vector<1024x64xf32> -> vector<1024x64xf32>
    %get3A_86 = arith.constant 0 : index
    %get3A_87 = arith.constant 0 : index
    %get3A_88 = vector.load %arg11[%get3A_86, %get3A_87] : memref<1x64xf32, #tpu.memory_space<vmem>>, vector<1x64xf32>
    %add3A_89 = vector.broadcast %get3A_88 : vector<1x64xf32> to vector<1024x64xf32>
    %add3A_90 = arith.addf %dot_general3A_85, %add3A_89 : vector<1024x64xf32>
    %swap3A = arith.constant 0 : index
    %swap3A_91 = arith.constant 0 : index
    %swap3A_92 = vector.load %arg12[%swap3A, %swap3A_91] : memref<1024x64xf32, #tpu.memory_space<vmem>>, vector<1024x64xf32>
    tpu.vector_store %arg12[%swap3A, %swap3A_91], %add3A_90 {strides = array<i32>} : memref<1024x64xf32, #tpu.memory_space<vmem>>, vector<1024x64xf32>,
    return
  }
  func.func @transform_0(%arg0: i32) -> (i32, i32) {
    %c0_i32 = arith.constant 0 : i32
    %c0_i32_0 = arith.constant 0 : i32
    return %arg0, %c0_i32 : i32, i32
  }
  func.func @transform_1(%arg0: i32) -> (i32, i32) {
    %c0_i32 = arith.constant 0 : i32
    %c0_i32_0 = arith.constant 0 : i32
    return %arg0, %c0_i32 : i32, i32
  }
  func.func @transform_2(%arg0: i32) -> (i32, i32) {
    %c0_i32 = arith.constant 0 : i32
    %c0_i32_0 = arith.constant 0 : i32
    return %arg0, %c0_i32 : i32, i32
  }
  func.func @transform_3(%arg0: i32) -> (i32, i32) {
    %c0_i32 = arith.constant 0 : i32
    %c0_i32_0 = arith.constant 0 : i32
    return %arg0, %c0_i32 : i32, i32
  }
  func.func @transform_4(%arg0: i32) -> (i32, i32) {
    %c0_i32 = arith.constant 0 : i32
    %c0_i32_0 = arith.constant 0 : i32
    %c0_i32_1 = arith.constant 0 : i32
    return %c0_i32, %c0_i32_0 : i32, i32
  }
  func.func @transform_5(%arg0: i32) -> (i32, i32) {
    %c0_i32 = arith.constant 0 : i32
    %c0_i32_0 = arith.constant 0 : i32
    %c0_i32_1 = arith.constant 0 : i32
    return %c0_i32, %c0_i32_0 : i32, i32
  }
  func.func @transform_6(%arg0: i32) -> (i32, i32) {
    %c0_i32 = arith.constant 0 : i32
    %c0_i32_0 = arith.constant 0 : i32
    %c0_i32_1 = arith.constant 0 : i32
    return %c0_i32, %c0_i32_0 : i32, i32
  }
  func.func @transform_7(%arg0: i32) -> (i32, i32) {
    %c0_i32 = arith.constant 0 : i32
    %c0_i32_0 = arith.constant 0 : i32
    %c0_i32_1 = arith.constant 0 : i32
    return %c0_i32, %c0_i32_0 : i32, i32
  }
  func.func @transform_8(%arg0: i32) -> (i32, i32) {
    %c0_i32 = arith.constant 0 : i32
    %c0_i32_0 = arith.constant 0 : i32
    %c0_i32_1 = arith.constant 0 : i32
    return %c0_i32, %c0_i32_0 : i32, i32
  }
  func.func @transform_9(%arg0: i32) -> (i32, i32) {
    %c0_i32 = arith.constant 0 : i32
    %c0_i32_0 = arith.constant 0 : i32
    %c0_i32_1 = arith.constant 0 : i32
    return %c0_i32, %c0_i32_0 : i32, i32
  }
  func.func @transform_10(%arg0: i32) -> (i32, i32) {
    %c0_i32 = arith.constant 0 : i32
    %c0_i32_0 = arith.constant 0 : i32
    %c0_i32_1 = arith.constant 0 : i32
    return %c0_i32, %c0_i32_0 : i32, i32
  }
  func.func @transform_11(%arg0: i32) -> (i32, i32) {
    %c0_i32 = arith.constant 0 : i32
    %c0_i32_0 = arith.constant 0 : i32
    return %arg0, %c0_i32 : i32, i32
  }
}

</mosaic_0001>

<sc_bundles>
// kernel: kernel.5.cloned.1.call-start
scs
__scs_entry_jumppad:
0x0: {  	(pc) =	sbr.rel $0x88, $3  }
0x1: {  	(tag) =	ssettag $0x0;
	lr =	simm.s32 $0x1  }
0x2: {  	[smem:$0x3F95] =	sst lr;
	_ =	strace $0xD0000000  }
0x3: {  	_ = 	snop  }
0x4: {  	_ = 	snop  }
0x5: {  	_ = 	snop  }
0x6: {  	_ = 	snop  }
0x7: {  	_ = 	snop  }
__scs_overlays_trampoline_lowered:
0x8: {  	[smem:$0x3FA4] =	sst s0  }
0x9: {  	[smem:$0x3FA5] =	sst s1  }
0xa: {  	[smem:$0x3FA6] =	sst s2  }
0xb: {  	[smem:$0x3FA7] =	sst s3  }
0xc: {  	[smem:$0x3FA8] =	sst s4  }
0xd: {  	[smem:$0x3FA9] =	sst s5  }
0xe: {  	[smem:$0x3FAA] =	sst s6  }
0xf: {  	[smem:$0x3FAB] =	sst s7  }
0x10: {  	[smem:$0x3FAC] =	sst s8  }
0x11: {  	[smem:$0x3FAD] =	sst s9;
	s0 =	simm.s32 @!p0 $0x0  }
0x12: {  	s1 =	sld [smem:$0x3F93];
	s0 =	simm.s32 @p0 $0x1  }
0x13: {  	[smem:$0x3FAE] =	sst s0;
	s0 =	simm.s32 @!p1 $0x0  }
0x14: {  	s2 =	sld [smem:$0x3F92];
	s0 =	simm.s32 @p1 $0x1  }
0x15: {  	[smem:$0x3FAF] =	sst s0;
	s0 =	simm.s32 @!p2 $0x0  }
0x16: {  	s3 =	sld [smem:$0x3FDB];
	s0 =	simm.s32 @p2 $0x1  }
0x17: {  	s4 =	simm.s32 $0x1BF5;
	[smem:$0x3FB1] =	sst s0  }
0x18: {  	s0 =	sld [smem:$0x3F94];
	_ =	swait.ge [sflag:s4], $0x0  }
0x19: {  	s7 =	sld [smem:$0x3F95]  }
0x1a: {  	s8 =	sadd.s32 $0xFFFFE003, lr  }
0x1b: {  	s9 =	sadd.s32 $0xFFFFFEF7, lr;
	s5 =	simm.s32 $0xFFFFFFFF;
	p2 =	slt.u32 s8, $0xFFFFF086  }
0x1c: {  	p1 =	slt.u32 s9, $0xF7A;
	s5 =	simm.s32 @!p2 $0x0  }
0x1d: {  	s5 =	simm.s32 @p1 $0x1;
	p0 =	seq.s32 s7, s2  }
0x1e: {  	s7 =	smul.u32 @!p0 $0xF7A, s2;
	p2 =	seq.s32 @!p0 s5, $0x0  }
0x1f: {  	s9 =	smul.u32 $0xF7A, s1;
	s8 =	simm.s32 @!p0 $0x1BF5;
	p2 =	por !p2, p0  }
0x20: {  	[sflag:s8] =	ssyncset.s32 @!p0 $0xFFFFF086;
	s6 =	sadd.s32 @!p0 s3, s7;
	s7 =	simm.s32 @!p0 $0x108  }
0x21: {  	s3 =	sadd.s32 s3, s9;
	s6 =	sadd.s32 @!p0 $0x88, s6;
	s7 =	simm.s32 @p2 $0x1082  }
0x22: {  	[simem:s7], [sflag:s8] =	dma.local @!p0 [hbm:s6], $0xF7A  }
0x23: {  	s9 =	sor.u32 $0xD0000000, s2;
	s6 =	simm.s32 $0x108;
	_ =	swait.ge @!p0 [sflag:s8], $0x0  }
0x24: {  	s3 =	sadd.s32 $0x88, s3;
	s6 =	simm.s32 @!p1 $0x1082;
	[sflag:s4] =	ssyncset.s32 $0xFFFFF086  }
0x25: {  	[simem:s6], [sflag:s4] =	dma.local [hbm:s3], $0xF7A  }
0x26: {  	[smem:$0x3F95] =	sst s1;
	(tag) =	ssettag s2;
	_ =	strace s9  }
0x27: {  	s1 =	sld [smem:$0x3FA5]  }
0x28: {  	s2 =	sld [smem:$0x3FA6]  }
0x29: {  	s4 =	sld [smem:$0x3FA8]  }
0x2a: {  	p0 =	seq.s32 s5, $0x0;
	s5 =	sld [smem:$0x3FA9]  }
0x2b: {  	s6 =	sld [smem:$0x3FAA]  }
0x2c: {  	s7 =	sld [smem:$0x3FAB]  }
0x2d: {  	s3 =	simm.s32 $0x108;
	s8 =	sld [smem:$0x3FAC]  }
0x2e: {  	s3 =	simm.s32 @!p0 $0x1082;
	s9 =	sld [smem:$0x3FAD]  }
0x2f: {  	lr =	sadd.s32 s0, s3;
	s0 =	sld [smem:$0x3FA4]  }
0x30: {  	s3 =	sld [smem:$0x3FA7]  }
0x31: {  	[smem:$0x3FB0] =	sst s10  }
0x32: {  	s10 =	sld [smem:$0x3FAE];
	_ =	sdelay $0x3  }
0x33: {  	p0 =	seq.s32 s10, $0x1;
	s10 =	sld [smem:$0x3FB0];
	_ =	sdelay $0x3  }
0x34: {  	[smem:$0x3FB0] =	sst s10  }
0x35: {  	s10 =	sld [smem:$0x3FAF];
	_ =	sdelay $0x3  }
0x36: {  	p1 =	seq.s32 s10, $0x1;
	s10 =	sld [smem:$0x3FB0];
	_ =	sdelay $0x3  }
0x37: {  	[smem:$0x3FB0] =	sst s10  }
0x38: {  	s10 =	sld [smem:$0x3FB1]  }
0x39: {  	_ = 	snop;
	(pc) =	sbr.ind lr, $3  }
0x3a: {  	_ = 	snop  }
0x3b: {  	_ = 	snop  }
0x3c: {  	p2 =	seq.s32 s10, $0x1;
	s10 =	sld [smem:$0x3FB0]  }
0x3d: {  	_ =	shalt  }
0x3e: {  	_ =	shalt  }
0x3f: {  	_ =	shalt  }
0x40: {  	_ =	shalt  }
0x41: {  	_ =	shalt  }
0x42: {  	_ =	shalt  }
0x43: {  	_ =	shalt  }
0x44: {  	_ =	shalt  }
0x45: {  	_ =	shalt  }
0x46: {  	_ =	shalt  }
0x47: {  	_ =	shalt  }
0x48: {  	_ =	shalt  }
0x49: {  	_ =	shalt  }
0x4a: {  	_ =	shalt  }
0x4b: {  	_ =	shalt  }
0x4c: {  	_ =	shalt  }
0x4d: {  	_ =	shalt  }
0x4e: {  	_ =	shalt  }
0x4f: {  	_ =	shalt  }
0x50: {  	_ =	shalt  }
0x51: {  	_ =	shalt  }
0x52: {  	_ =	shalt  }
0x53: {  	_ =	shalt  }
0x54: {  	_ =	shalt  }
0x55: {  	_ =	shalt  }
0x56: {  	_ =	shalt  }
0x57: {  	_ =	shalt  }
0x58: {  	_ =	shalt  }
0x59: {  	_ =	shalt  }
0x5a: {  	_ =	shalt  }
0x5b: {  	_ =	shalt  }
0x5c: {  	_ =	shalt  }
0x5d: {  	_ =	shalt  }
0x5e: {  	_ =	shalt  }
0x5f: {  	_ =	shalt  }
0x60: {  	_ =	shalt  }
0x61: {  	_ =	shalt  }
0x62: {  	_ =	shalt  }
0x63: {  	_ =	shalt  }
0x64: {  	_ =	shalt  }
0x65: {  	_ =	shalt  }
0x66: {  	_ =	shalt  }
0x67: {  	_ =	shalt  }
0x68: {  	_ =	shalt  }
0x69: {  	_ =	shalt  }
0x6a: {  	_ =	shalt  }
0x6b: {  	_ =	shalt  }
0x6c: {  	_ =	shalt  }
0x6d: {  	_ =	shalt  }
0x6e: {  	_ =	shalt  }
0x6f: {  	_ =	shalt  }
0x70: {  	_ =	shalt  }
0x71: {  	_ =	shalt  }
0x72: {  	_ =	shalt  }
0x73: {  	_ =	shalt  }
0x74: {  	_ =	shalt  }
0x75: {  	_ =	shalt  }
0x76: {  	_ =	shalt  }
0x77: {  	_ =	shalt  }
0x78: {  	_ =	shalt  }
0x79: {  	_ =	shalt  }
0x7a: {  	_ =	shalt  }
0x7b: {  	_ =	shalt  }
0x7c: {  	_ =	shalt  }
0x7d: {  	_ =	shalt  }
0x7e: {  	_ =	shalt  }
0x7f: {  	_ =	shalt  }
0x80: {  	_ =	shalt  }
0x81: {  	_ =	shalt  }
0x82: {  	_ =	shalt  }
0x83: {  	_ =	shalt  }
0x84: {  	_ =	shalt  }
0x85: {  	_ =	shalt  }
0x86: {  	_ =	shalt  }
0x87: {  	_ =	shalt  }
.Lfunc_end0:
.L_simem_size_0:
called_computation_lowered:
.L_overlay_start_0:
0x88: {  	s2 =	sld [smem:$0x3FD9]  }
0x89: {  	s3 =	sld [smem:$0x3FFE];
	_ =	sdelay $0x1  }
0x8a: {  	s1 =	srdreg.scid  }
0x8b: {  	s0 =	sand.u32 $0x1, s1  }
0x8c: {  	s17 =	sshll.u32 s0, $0xA;
	s2 =	sadd.s32 s3, s2  }
0x8d: {  	s2 =	sadd.s32 s2, s17  }
0x8e: {  	[smem:$0x3FBC] =	sst s2  }
0x8f: {  	_ = 	snop  }
0x90: {  	s18 =	sld [smem:$0x3FC4];
	(tm) =	ssettm $0x1  }
0x91: {  	s19 =	sld [smem:$0x3FFB];
	_ =	sdelay $0x3  }
0x92: {  	_ =	strace s19  }
0x93: {  	s2 =	sld [smem:$0x3FFC];
	_ =	sdelay $0x3  }
0x94: {  	_ =	strace s2  }
0x95: {  	s2 =	sld [smem:$0x3FFD];
	_ =	sdelay $0x3  }
0x96: {  	_ =	strace s2  }
0x97: {  	_ =	strace $0x8FFFFFFF  }
0x98: {  	s20 =	sld [smem:$0x3FDB];
	_ =	sdelay $0x1  }
0x99: {  	s4 =	simm.s32 $_scs_section_size  }
0x9a: {  	s5 =	simm.s32 $_size__tile_overlayer_lowered;
	s6 =	simm.s32 $_tile_overlayer_lowered  }
0x9b: {  	s7 =	simm.s32 $0x1BFF;
	s21 =	sshll.u32 s6, $0x1;
	s4 =	sadd.s32 s4, s20  }
0x9c: {  	s22 =	simm.s32 $0x0;
	s5 =	sshll.u32 s5, $0x1;
	s6 =	sadd.s32 s21, s4  }
0x9d: {  	[timem:s22], [sflag:s7] =	dma.local [hbm:s6], s5  }
0x9e: {  	_ =	swait.ge [sflag:s7], s5  }
0x9f: {  	s5 =	ssub.s32 $0x0, s5;
	[sflag:s7] =	ssyncset.done $0x0  }
0xa0: {  	[sflag:s7] =	ssyncadd.s32 s5;
	_ =	sdelay $0x1  }
0xa1: {  	s23 =	simm.s32 $0x1B8B  }
0xa2: {  	_ =	swait.ge [sflag:s23], $0x1  }
0xa3: {  	[sflag:s23] =	ssyncset.done $0x0  }
0xa4: {  	[sflag:s23] =	ssyncadd.s32 $0xFFFFFFFF  }
0xa5: {  	s5 =	sld [smem:$0x0]  }
0xa6: {  	s6 =	sand.u32 $0xFFFFFFFE, s1  }
0xa7: {  	p0 =	sne.s32 s1, s6  }
0xa8: {  	s6 =	sshll.u32 @p0 s6, $0xE  }
0xa9: {  	s6 =	sadd.s32 @p0 $0x11B8D, s6;
	s7 =	sshll.u32 @p0 s5, $0x11  }
0xaa: {  	s6 =	sor.u32 @p0 s7, s6  }
0xab: {  	[sflag:s6] =	ssyncadd.remote.s32 @p0 $0x1;
	_ =	sdelay $0x1  }
0xac: {  	s6 =	simm.s32 @p0 $0x1B8D  }
0xad: {  	_ =	swait.eq @p0 [sflag:s6], $0x1  }
0xae: {  	[sflag:s6] =	ssyncadd.s32 @p0 $0xFFFFFFFF  }
0xaf: {  	s7 =	sshll.u32 @!p0 s1, $0xE  }
0xb0: {  	s7 =	sor.u32 @!p0 $0x4000, s7;
	s6 =	simm.s32 @!p0 $0x1B8D  }
0xb1: {  	s5 =	sshll.u32 @!p0 s5, $0x11;
	s7 =	sadd.s32 @!p0 $0x11B8D, s7;
	_ =	swait.eq @!p0 [sflag:s6], $0x1  }
0xb2: {  	s5 =	sor.u32 @!p0 s5, s7;
	[sflag:s6] =	ssyncadd.s32 @!p0 $0xFFFFFFFF  }
0xb3: {  	s25 =	simm.s32 $0x1B8E;
	s24 =	sld [smem:$0x3FFE];
	[sflag:s5] =	ssyncadd.remote.s32 @!p0 $0x1  }
0xb4: {  	s26 =	simm.s32 $execute0_lowered;
	[smem:$0x3FD2] =	sst s25  }
0xb5: {  	s6 =	sshll.u32 s26, $0x1;
	_ =	strace $0x80000049;
	[dreg:$0x1] =	wrdreg $0xFFFFFFFF  }
0xb6: {  	s28 =	simm.s32 $_size_execute0_lowered;
	s4 =	sadd.s32 s4, s6;
	[dreg:$0x0] =	wrdreg $0x0  }
0xb7: {  	s6 =	sshll.u32 s28, $0x1;
	[dreg:$0x2] =	wrdreg s4  }
0xb8: {  	[dreg:$0x3] =	wrdreg s6  }
0xb9: {  	[dreg:$0x4] =	wrdreg $0xC0  }
0xba: {  	_ =	task [dreg:s22], $0x5FFFF  }
0xbb: {  	[dreg:$0x1] =	wrdreg $0xFFFFFFFF  }
0xbc: {  	[dreg:$0x0] =	wrdreg $0x60  }
0xbd: {  	[dreg:$0x2] =	wrdreg s24  }
0xbe: {  	[dreg:$0x3] =	wrdreg s18  }
0xbf: {  	[dreg:$0x4] =	wrdreg $0x9  }
0xc0: {  	_ =	task.clear_ibuf [dreg:s22], $0x5FFFF;
	_ =	strace $0x90000049  }
0xc1: {  	s29 =	simm.s32 $0x9;
	_ =	strace $0x8000004B  }
0xc2: {  	_ =	swait.ge [sflag:s29], $0x1  }
0xc3: {  	[sflag:s29] =	ssyncadd.s32 $0xFFFFFFFF  }
0xc4: {  	_ =	strace $0x9000004B  }
0xc5: {  	_ =	sfence  }
0xc6: {  	s30 =	sld [smem:$0x0];
	_ =	sdelay $0x2  }
0xc7: {  	s31 =	sshll.u32 s1, $0xD;
	s1 =	sshrl.u32 s1, $0x2  }
0xc8: {  	s4 =	sand.u32 $0x4000, s31;
	s1 =	sadd.s32 s1, s30  }
0xc9: {  	s0 =	sor.u32 s4, s0;
	s1 =	sshll.u32 s1, $0x11  }
0xca: {  	s0 =	sor.u32 s1, s0  }
0xcb: {  	s0 =	sadd.s32 $0x8F2B, s0  }
0xcc: {  	[sflag:s0] =	ssyncadd.remote.s32 $0x1  }
0xcd: {  	_ =	sfence.sel $0xFFFF  }
0xce: {  	[dreg:$0x0] =	wrdreg $0xFFFFFFFF;
	(pc) =	sbr.abs _section_cstart, $3  }
0xcf: {  	[dreg:$0x1] =	wrdreg $0xFFFFFFFF  }
0xd0: {  	_ =	task.clear_ibuf [dreg:s22], $0x2FFFF;
	_ =	strace $0x9FFFFFFF  }
0xd1: {  	(tm) =	ssettm $0x7FFFFFFF  }
tec
execute0_lowered:
.L_overlay_start_1:
0x0: {  	(tag) =	ssettag $0x1  }
0x1: {  	s0 =	srdreg.scid;
	s1 =	rddreg [dreg:$0x0]  }
0x2: {  	s3 =	stileid.u32;
	s2 =	rddreg [dreg:$0x1];
	s28 =	simm.s32 $0xE00  }
0x3: {  	s29 =	simm.s32 $0x1600;
	s30 =	simm.s32 $0x1A00;
	s31 =	simm.s32 $0x2200  }
0x4: {  	s9 =	simm.s32 $0x3200;
	s10 =	simm.s32 $0x3A00;
	s11 =	simm.s32 $0x3E00  }
0x5: {  	s12 =	simm.s32 $0x4600;
	s13 =	simm.s32 $0x4A00;
	s14 =	simm.s32 $0x5200  }
0x6: {  	s15 =	simm.s32 $0x5600;
	s17 =	simm.s32 $0x5E00;
	s18 =	simm.s32 $0x6200  }
0x7: {  	s19 =	simm.s32 $0x6A00;
	s20 =	simm.s32 $0x7600;
	s21 =	simm.s32 $0x7A00  }
0x8: {  	s22 =	simm.s32 $0x8200;
	s16 =	simm.s32 $0x8E00;
	s0 =	sand.u32 $0x1, s0  }
0x9: {  	s4 =	sshll.u32 s3, $0x7;
	s3 =	simm.s32 $0x0;
	s5 =	sshll.u32 s0, $0x6  }
0xa: {  	s23 =	simm.s32 $0x9200;
	[smem:$0x7FF] =	sst s3;
	s4 =	sor.u32 s5, s4  }
0xb: {  	s0 =	ssub.s32 $0x2, s0;
	_ =	strace $0x8000004A;
	s5 =	smul.u32 $0x180, s4  }
0xc: {  	s7 =	sshrl.u32 s0, $0x1;
	s6 =	smul.u32 $0xC00, s4;
	s4 =	sadd.s32 s4, s1  }
0xd: {  	s1 =	sadd.s32 $0x392E00, s1;
	s0 =	ssub.s32 s0, s7;
	s7 =	simm.s32 $0x3  }
0xe: {  	s4 =	sadd.s32 $0x2000, s4;
	s8 =	sadd.s32 s1, s5;
	s24 =	sshrl.u32 s6, $0x3  }
0xf: {  	[dreg:$0x3] =	wrdreg s4;
	s5 =	sadd.s32 $0x100, s2;
	s6 =	smax.u32 s0, $0x1  }
0x10: {  	[dreg:$0x7] =	wrdreg s8;
	s25 =	sadd.s32 $0x1800, s8;
	s1 =	sadd.s32 s1, s24  }
0x11: {  	v2 =	vlaneseq.u32;
	s4 =	simm.s32 $0x2;
	[dreg:$0x4] =	wrdreg s25;
	s26 =	sadd.s32 $0x3000, s1  }
0x12: {  	vm0 =	vmmov $0xffff;
	vm1 =	vmmov $0xff;
	v1 =	vshrl.u32 v2, $0x3;
	s8 =	simm.s32 $0x8600;
	s1 =	sadd.s32 $0x4800, s1;
	[dreg:$0x5] =	wrdreg s26  }
0x13: {  	v0 =	vand.u32 $0x7, v2;
	v2 =	vor.u32 $0x8, v2;
	v1 =	vmul.u32 $0x8, v1;
	s24 =	simm.s32 $0x1;
	[dreg:$0x6] =	wrdreg s1;
	s26 =	simm.s32 $0xA00  }
.LBB2_1:
0x14: {  	s25 =	rddreg [dreg:$0x3]  }
0x15: {  	[tilespmem:s3], [sflag:$0x3] =	stream.linear.gather [hbm4b:s25+s3], $0x200, $0x38;
	[tilespmem:$0x18200] =	vst v63  }
0x16: {  	_ =	swait.ge [sflag:s7], $0x200  }
0x17: {  	[sflag:s7] =	ssyncset.done $0x0  }
0x18: {  	[sflag:s7] =	ssyncadd.s32 $0xFFFFFE00  }
0x19: {  	v3 =	vld [tilespmem:$0x0];
	_ =	sdelay $0x4  }
0x1a: {  	v4 =	vshrl.u32 v3, $0x3  }
0x1b: {  	v4 =	vmul.u32 $0x18, v4  }
0x1c: {  	v3 =	vand.u32 $0x7, v3  }
0x1d: {  	v3 =	vor.u32 v3, v4  }
0x1e: {  	v4 =	vperm.xlane v3, v0;
	_ =	sdelay $0x1  }
0x1f: {  	v4 =	vadd.s32 v1, v4;
	_ =	sdelay $0x1  }
0x20: {  	v3 =	vperm.xlane v3, v2;
	_ =	sdelay $0x1  }
0x21: {  	s0 =	simm.s32 $0x200;
	v3 =	vadd.s32 v1, v3  }
0x22: {  	[tilespmem:s0], [sflag:$0x1] =	stream.indirect_vreg.gather [hbm4b:s2+s3], $0x80, v4, vm0, $0xb8;
	[tilespmem:$0x18200] =	vst v63  }
0x23: {  	_ = 	snop  }
0x24: {  	[tilespmem:s26], [sflag:$0x1] =	stream.indirect_vreg.gather [hbm4b:s5+s3], $0x80, v4, vm1, $0xb8;
	[tilespmem:$0x18200] =	vst v63  }
0x25: {  	_ = 	snop  }
0x26: {  	[tilespmem:s28], [sflag:$0x1] =	stream.indirect_vreg.gather [hbm4b:s2+s3], $0x80, v3, vm0, $0xb8;
	[tilespmem:$0x18200] =	vst v63  }
0x27: {  	_ = 	snop  }
0x28: {  	[tilespmem:s29], [sflag:$0x1] =	stream.indirect_vreg.gather [hbm4b:s5+s3], $0x80, v3, vm1, $0xb8;
	[tilespmem:$0x18200] =	vst v63  }
0x29: {  	v3 =	vld [tilespmem:$0x10];
	_ =	sdelay $0x4  }
0x2a: {  	v33 =	vshrl.u32 v3, $0x3  }
0x2b: {  	v4 =	vmul.u32 $0x18, v33  }
0x2c: {  	v3 =	vand.u32 $0x7, v3  }
0x2d: {  	v3 =	vor.u32 v3, v4  }
0x2e: {  	v4 =	vperm.xlane v3, v0;
	_ =	sdelay $0x1  }
0x2f: {  	v4 =	vadd.s32 v1, v4;
	_ =	sdelay $0x1  }
0x30: {  	v3 =	vperm.xlane v3, v2;
	_ =	sdelay $0x1  }
0x31: {  	v3 =	vadd.s32 v1, v3  }
0x32: {  	[tilespmem:s30], [sflag:$0x1] =	stream.indirect_vreg.gather [hbm4b:s2+s3], $0x80, v4, vm0, $0xb8;
	[tilespmem:$0x18200] =	vst v63  }
0x33: {  	_ = 	snop  }
0x34: {  	[tilespmem:s31], [sflag:$0x1] =	stream.indirect_vreg.gather [hbm4b:s5+s3], $0x80, v4, vm1, $0xb8;
	[tilespmem:$0x18200] =	vst v63  }
0x35: {  	s25 =	simm.s32 $0x2600  }
0x36: {  	[tilespmem:s25], [sflag:$0x1] =	stream.indirect_vreg.gather [hbm4b:s2+s3], $0x80, v3, vm0, $0xb8;
	[tilespmem:$0x18200] =	vst v63  }
0x37: {  	s1 =	simm.s32 $0x2E00  }
0x38: {  	[tilespmem:s1], [sflag:$0x1] =	stream.indirect_vreg.gather [hbm4b:s5+s3], $0x80, v3, vm1, $0xb8;
	[tilespmem:$0x18200] =	vst v63  }
0x39: {  	v3 =	vld [tilespmem:$0x20];
	_ =	sdelay $0x4  }
0x3a: {  	v34 =	vshrl.u32 v3, $0x3  }
0x3b: {  	v4 =	vmul.u32 $0x18, v34  }
0x3c: {  	v3 =	vand.u32 $0x7, v3  }
0x3d: {  	v3 =	vor.u32 v3, v4  }
0x3e: {  	v4 =	vperm.xlane v3, v0;
	_ =	sdelay $0x1  }
0x3f: {  	v4 =	vadd.s32 v1, v4;
	_ =	sdelay $0x1  }
0x40: {  	v3 =	vperm.xlane v3, v2;
	_ =	sdelay $0x1  }
0x41: {  	v3 =	vadd.s32 v1, v3  }
0x42: {  	[tilespmem:s9], [sflag:$0x1] =	stream.indirect_vreg.gather [hbm4b:s2+s3], $0x80, v4, vm0, $0xb8;
	[tilespmem:$0x18200] =	vst v63  }
0x43: {  	_ = 	snop  }
0x44: {  	[tilespmem:s10], [sflag:$0x1] =	stream.indirect_vreg.gather [hbm4b:s5+s3], $0x80, v4, vm1, $0xb8;
	[tilespmem:$0x18200] =	vst v63  }
0x45: {  	_ = 	snop  }
0x46: {  	[tilespmem:s11], [sflag:$0x1] =	stream.indirect_vreg.gather [hbm4b:s2+s3], $0x80, v3, vm0, $0xb8;
	[tilespmem:$0x18200] =	vst v63  }
0x47: {  	_ = 	snop  }
0x48: {  	[tilespmem:s12], [sflag:$0x1] =	stream.indirect_vreg.gather [hbm4b:s5+s3], $0x80, v3, vm1, $0xb8;
	[tilespmem:$0x18200] =	vst v63  }
0x49: {  	v3 =	vld [tilespmem:$0x30];
	_ =	sdelay $0x4  }
0x4a: {  	v35 =	vshrl.u32 v3, $0x3  }
0x4b: {  	v4 =	vmul.u32 $0x18, v35  }
0x4c: {  	v3 =	vand.u32 $0x7, v3  }
0x4d: {  	v3 =	vor.u32 v3, v4  }
0x4e: {  	v4 =	vperm.xlane v3, v0;
	_ =	sdelay $0x1  }
0x4f: {  	v4 =	vadd.s32 v1, v4;
	_ =	sdelay $0x1  }
0x50: {  	v3 =	vperm.xlane v3, v2;
	_ =	sdelay $0x1  }
0x51: {  	v3 =	vadd.s32 v1, v3  }
0x52: {  	[tilespmem:s13], [sflag:$0x1] =	stream.indirect_vreg.gather [hbm4b:s2+s3], $0x80, v4, vm0, $0xb8;
	[tilespmem:$0x18200] =	vst v63  }
0x53: {  	_ = 	snop  }
0x54: {  	[tilespmem:s14], [sflag:$0x1] =	stream.indirect_vreg.gather [hbm4b:s5+s3], $0x80, v4, vm1, $0xb8;
	[tilespmem:$0x18200] =	vst v63  }
0x55: {  	_ = 	snop  }
0x56: {  	[tilespmem:s15], [sflag:$0x1] =	stream.indirect_vreg.gather [hbm4b:s2+s3], $0x80, v3, vm0, $0xb8;
	[tilespmem:$0x18200] =	vst v63  }
0x57: {  	_ = 	snop  }
0x58: {  	[tilespmem:s17], [sflag:$0x1] =	stream.indirect_vreg.gather [hbm4b:s5+s3], $0x80, v3, vm1, $0xb8;
	[tilespmem:$0x18200] =	vst v63  }
0x59: {  	v3 =	vld [tilespmem:$0x40];
	_ =	sdelay $0x4  }
0x5a: {  	v36 =	vshrl.u32 v3, $0x3  }
0x5b: {  	v4 =	vmul.u32 $0x18, v36  }
0x5c: {  	v3 =	vand.u32 $0x7, v3  }
0x5d: {  	v3 =	vor.u32 v3, v4  }
0x5e: {  	v4 =	vperm.xlane v3, v0;
	_ =	sdelay $0x1  }
0x5f: {  	v4 =	vadd.s32 v1, v4;
	_ =	sdelay $0x1  }
0x60: {  	v3 =	vperm.xlane v3, v2;
	_ =	sdelay $0x1  }
0x61: {  	v3 =	vadd.s32 v1, v3  }
0x62: {  	[tilespmem:s18], [sflag:$0x1] =	stream.indirect_vreg.gather [hbm4b:s2+s3], $0x80, v4, vm0, $0xb8;
	[tilespmem:$0x18200] =	vst v63  }
0x63: {  	_ = 	snop  }
0x64: {  	[tilespmem:s19], [sflag:$0x1] =	stream.indirect_vreg.gather [hbm4b:s5+s3], $0x80, v4, vm1, $0xb8;
	[tilespmem:$0x18200] =	vst v63  }
0x65: {  	s25 =	simm.s32 $0x6E00  }
0x66: {  	[tilespmem:s25], [sflag:$0x1] =	stream.indirect_vreg.gather [hbm4b:s2+s3], $0x80, v3, vm0, $0xb8;
	[tilespmem:$0x18200] =	vst v63  }
0x67: {  	_ = 	snop  }
0x68: {  	[tilespmem:s20], [sflag:$0x1] =	stream.indirect_vreg.gather [hbm4b:s5+s3], $0x80, v3, vm1, $0xb8;
	[tilespmem:$0x18200] =	vst v63  }
0x69: {  	v3 =	vld [tilespmem:$0x50];
	_ =	sdelay $0x4  }
0x6a: {  	v37 =	vshrl.u32 v3, $0x3  }
0x6b: {  	v4 =	vmul.u32 $0x18, v37  }
0x6c: {  	v3 =	vand.u32 $0x7, v3  }
0x6d: {  	v3 =	vor.u32 v3, v4  }
0x6e: {  	v4 =	vperm.xlane v3, v0;
	_ =	sdelay $0x1  }
0x6f: {  	v4 =	vadd.s32 v1, v4;
	_ =	sdelay $0x1  }
0x70: {  	v3 =	vperm.xlane v3, v2;
	_ =	sdelay $0x1  }
0x71: {  	v3 =	vadd.s32 v1, v3  }
0x72: {  	[tilespmem:s21], [sflag:$0x1] =	stream.indirect_vreg.gather [hbm4b:s2+s3], $0x80, v4, vm0, $0xb8;
	[tilespmem:$0x18200] =	vst v63  }
0x73: {  	_ = 	snop  }
0x74: {  	[tilespmem:s22], [sflag:$0x1] =	stream.indirect_vreg.gather [hbm4b:s5+s3], $0x80, v4, vm1, $0xb8;
	[tilespmem:$0x18200] =	vst v63  }
0x75: {  	_ = 	snop  }
0x76: {  	[tilespmem:s8], [sflag:$0x1] =	stream.indirect_vreg.gather [hbm4b:s2+s3], $0x80, v3, vm0, $0xb8;
	[tilespmem:$0x18200] =	vst v63  }
0x77: {  	_ = 	snop  }
0x78: {  	[tilespmem:s16], [sflag:$0x1] =	stream.indirect_vreg.gather [hbm4b:s5+s3], $0x80, v3, vm1, $0xb8;
	[tilespmem:$0x18200] =	vst v63  }
0x79: {  	v3 =	vld [tilespmem:$0x60];
	_ =	sdelay $0x4  }
0x7a: {  	v38 =	vshrl.u32 v3, $0x3  }
0x7b: {  	v4 =	vmul.u32 $0x18, v38  }
0x7c: {  	v3 =	vand.u32 $0x7, v3  }
0x7d: {  	v3 =	vor.u32 v3, v4  }
0x7e: {  	v4 =	vperm.xlane v3, v0;
	_ =	sdelay $0x1  }
0x7f: {  	v4 =	vadd.s32 v1, v4;
	_ =	sdelay $0x1  }
0x80: {  	v3 =	vperm.xlane v3, v2;
	_ =	sdelay $0x1  }
0x81: {  	v3 =	vadd.s32 v1, v3  }
0x82: {  	[tilespmem:s23], [sflag:$0x1] =	stream.indirect_vreg.gather [hbm4b:s2+s3], $0x80, v4, vm0, $0xb8;
	[tilespmem:$0x18200] =	vst v63  }
0x83: {  	s1 =	simm.s32 $0x9A00  }
0x84: {  	[tilespmem:s1], [sflag:$0x1] =	stream.indirect_vreg.gather [hbm4b:s5+s3], $0x80, v4, vm1, $0xb8;
	[tilespmem:$0x18200] =	vst v63  }
0x85: {  	s25 =	simm.s32 $0x9E00  }
0x86: {  	[tilespmem:s25], [sflag:$0x1] =	stream.indirect_vreg.gather [hbm4b:s2+s3], $0x80, v3, vm0, $0xb8;
	[tilespmem:$0x18200] =	vst v63  }
0x87: {  	s1 =	simm.s32 $0xA600  }
0x88: {  	[tilespmem:s1], [sflag:$0x1] =	stream.indirect_vreg.gather [hbm4b:s5+s3], $0x80, v3, vm1, $0xb8;
	[tilespmem:$0x18200] =	vst v63  }
0x89: {  	v3 =	vld [tilespmem:$0x70];
	_ =	sdelay $0x4  }
0x8a: {  	v39 =	vshrl.u32 v3, $0x3  }
0x8b: {  	v4 =	vmul.u32 $0x18, v39  }
0x8c: {  	v3 =	vand.u32 $0x7, v3  }
0x8d: {  	v3 =	vor.u32 v3, v4  }
0x8e: {  	v4 =	vperm.xlane v3, v0;
	_ =	sdelay $0x1  }
0x8f: {  	v4 =	vadd.s32 v1, v4;
	_ =	sdelay $0x1  }
0x90: {  	v3 =	vperm.xlane v3, v2;
	_ =	sdelay $0x1  }
0x91: {  	s25 =	simm.s32 $0xAA00;
	v3 =	vadd.s32 v1, v3  }
0x92: {  	[tilespmem:s25], [sflag:$0x1] =	stream.indirect_vreg.gather [hbm4b:s2+s3], $0x80, v4, vm0, $0xb8;
	[tilespmem:$0x18200] =	vst v63  }
0x93: {  	s1 =	simm.s32 $0xB200  }
0x94: {  	[tilespmem:s1], [sflag:$0x1] =	stream.indirect_vreg.gather [hbm4b:s5+s3], $0x80, v4, vm1, $0xb8;
	[tilespmem:$0x18200] =	vst v63  }
0x95: {  	s25 =	simm.s32 $0xB600  }
0x96: {  	[tilespmem:s25], [sflag:$0x1] =	stream.indirect_vreg.gather [hbm4b:s2+s3], $0x80, v3, vm0, $0xb8;
	[tilespmem:$0x18200] =	vst v63  }
0x97: {  	s1 =	simm.s32 $0xBE00  }
0x98: {  	[tilespmem:s1], [sflag:$0x1] =	stream.indirect_vreg.gather [hbm4b:s5+s3], $0x80, v3, vm1, $0xb8;
	[tilespmem:$0x18200] =	vst v63  }
0x99: {  	v3 =	vld [tilespmem:$0x80];
	_ =	sdelay $0x4  }
0x9a: {  	v40 =	vshrl.u32 v3, $0x3  }
0x9b: {  	v4 =	vmul.u32 $0x18, v40  }
0x9c: {  	v3 =	vand.u32 $0x7, v3  }
0x9d: {  	v3 =	vor.u32 v3, v4  }
0x9e: {  	v4 =	vperm.xlane v3, v0;
	_ =	sdelay $0x1  }
0x9f: {  	v4 =	vadd.s32 v1, v4;
	_ =	sdelay $0x1  }
0xa0: {  	v3 =	vperm.xlane v3, v2;
	_ =	sdelay $0x1  }
0xa1: {  	s0 =	simm.s32 $0xC200;
	v3 =	vadd.s32 v1, v3  }
0xa2: {  	[tilespmem:s0], [sflag:$0x2] =	stream.indirect_vreg.gather [hbm4b:s2+s3], $0x80, v4, vm0, $0xb8;
	[tilespmem:$0x18200] =	vst v63  }
0xa3: {  	s1 =	simm.s32 $0xCA00  }
0xa4: {  	[tilespmem:s1], [sflag:$0x2] =	stream.indirect_vreg.gather [hbm4b:s5+s3], $0x80, v4, vm1, $0xb8;
	[tilespmem:$0x18200] =	vst v63  }
0xa5: {  	s25 =	simm.s32 $0xCE00  }
0xa6: {  	[tilespmem:s25], [sflag:$0x2] =	stream.indirect_vreg.gather [hbm4b:s2+s3], $0x80, v3, vm0, $0xb8;
	[tilespmem:$0x18200] =	vst v63  }
0xa7: {  	s25 =	simm.s32 $0xD600  }
0xa8: {  	[tilespmem:s25], [sflag:$0x2] =	stream.indirect_vreg.gather [hbm4b:s5+s3], $0x80, v3, vm1, $0xb8;
	[tilespmem:$0x18200] =	vst v63  }
0xa9: {  	v3 =	vld [tilespmem:$0x90];
	_ =	sdelay $0x4  }
0xaa: {  	v41 =	vshrl.u32 v3, $0x3  }
0xab: {  	v4 =	vmul.u32 $0x18, v41  }
0xac: {  	v3 =	vand.u32 $0x7, v3  }
0xad: {  	v3 =	vor.u32 v3, v4  }
0xae: {  	v4 =	vperm.xlane v3, v0;
	_ =	sdelay $0x1  }
0xaf: {  	v4 =	vadd.s32 v1, v4;
	_ =	sdelay $0x1  }
0xb0: {  	v3 =	vperm.xlane v3, v2;
	_ =	sdelay $0x1  }
0xb1: {  	s25 =	simm.s32 $0xDA00;
	v3 =	vadd.s32 v1, v3  }
0xb2: {  	[tilespmem:s25], [sflag:$0x2] =	stream.indirect_vreg.gather [hbm4b:s2+s3], $0x80, v4, vm0, $0xb8;
	[tilespmem:$0x18200] =	vst v63  }
0xb3: {  	s25 =	simm.s32 $0xE200  }
0xb4: {  	[tilespmem:s25], [sflag:$0x2] =	stream.indirect_vreg.gather [hbm4b:s5+s3], $0x80, v4, vm1, $0xb8;
	[tilespmem:$0x18200] =	vst v63  }
0xb5: {  	s25 =	simm.s32 $0xE600  }
0xb6: {  	[tilespmem:s25], [sflag:$0x2] =	stream.indirect_vreg.gather [hbm4b:s2+s3], $0x80, v3, vm0, $0xb8;
	[tilespmem:$0x18200] =	vst v63  }
0xb7: {  	s25 =	simm.s32 $0xEE00  }
0xb8: {  	[tilespmem:s25], [sflag:$0x2] =	stream.indirect_vreg.gather [hbm4b:s5+s3], $0x80, v3, vm1, $0xb8;
	[tilespmem:$0x18200] =	vst v63  }
0xb9: {  	v3 =	vld [tilespmem:$0xA0];
	_ =	sdelay $0x4  }
0xba: {  	v42 =	vshrl.u32 v3, $0x3  }
0xbb: {  	v4 =	vmul.u32 $0x18, v42  }
0xbc: {  	v3 =	vand.u32 $0x7, v3  }
0xbd: {  	v3 =	vor.u32 v3, v4  }
0xbe: {  	v4 =	vperm.xlane v3, v0;
	_ =	sdelay $0x1  }
0xbf: {  	v4 =	vadd.s32 v1, v4;
	_ =	sdelay $0x1  }
0xc0: {  	v3 =	vperm.xlane v3, v2;
	_ =	sdelay $0x1  }
0xc1: {  	s25 =	simm.s32 $0xF200;
	v3 =	vadd.s32 v1, v3  }
0xc2: {  	[tilespmem:s25], [sflag:$0x2] =	stream.indirect_vreg.gather [hbm4b:s2+s3], $0x80, v4, vm0, $0xb8;
	[tilespmem:$0x18200] =	vst v63  }
0xc3: {  	s25 =	simm.s32 $0xFA00  }
0xc4: {  	[tilespmem:s25], [sflag:$0x2] =	stream.indirect_vreg.gather [hbm4b:s5+s3], $0x80, v4, vm1, $0xb8;
	[tilespmem:$0x18200] =	vst v63  }
0xc5: {  	s25 =	simm.s32 $0xFE00  }
0xc6: {  	[tilespmem:s25], [sflag:$0x2] =	stream.indirect_vreg.gather [hbm4b:s2+s3], $0x80, v3, vm0, $0xb8;
	[tilespmem:$0x18200] =	vst v63  }
0xc7: {  	s25 =	simm.s32 $0x10600  }
0xc8: {  	[tilespmem:s25], [sflag:$0x2] =	stream.indirect_vreg.gather [hbm4b:s5+s3], $0x80, v3, vm1, $0xb8;
	[tilespmem:$0x18200] =	vst v63  }
0xc9: {  	v3 =	vld [tilespmem:$0xB0];
	_ =	sdelay $0x4  }
0xca: {  	v43 =	vshrl.u32 v3, $0x3  }
0xcb: {  	v4 =	vmul.u32 $0x18, v43  }
0xcc: {  	v3 =	vand.u32 $0x7, v3  }
0xcd: {  	v3 =	vor.u32 v3, v4  }
0xce: {  	v4 =	vperm.xlane v3, v0;
	_ =	sdelay $0x1  }
0xcf: {  	v4 =	vadd.s32 v1, v4;
	_ =	sdelay $0x1  }
0xd0: {  	v3 =	vperm.xlane v3, v2;
	_ =	sdelay $0x1  }
0xd1: {  	s25 =	simm.s32 $0x10A00;
	v3 =	vadd.s32 v1, v3  }
0xd2: {  	[tilespmem:s25], [sflag:$0x2] =	stream.indirect_vreg.gather [hbm4b:s2+s3], $0x80, v4, vm0, $0xb8;
	[tilespmem:$0x18200] =	vst v63  }
0xd3: {  	s25 =	simm.s32 $0x11200  }
0xd4: {  	[tilespmem:s25], [sflag:$0x2] =	stream.indirect_vreg.gather [hbm4b:s5+s3], $0x80, v4, vm1, $0xb8;
	[tilespmem:$0x18200] =	vst v63  }
0xd5: {  	s25 =	simm.s32 $0x11600  }
0xd6: {  	[tilespmem:s25], [sflag:$0x2] =	stream.indirect_vreg.gather [hbm4b:s2+s3], $0x80, v3, vm0, $0xb8;
	[tilespmem:$0x18200] =	vst v63  }
0xd7: {  	s25 =	simm.s32 $0x11E00  }
0xd8: {  	[tilespmem:s25], [sflag:$0x2] =	stream.indirect_vreg.gather [hbm4b:s5+s3], $0x80, v3, vm1, $0xb8;
	[tilespmem:$0x18200] =	vst v63  }
0xd9: {  	v3 =	vld [tilespmem:$0xC0];
	_ =	sdelay $0x4  }
0xda: {  	v44 =	vshrl.u32 v3, $0x3  }
0xdb: {  	v4 =	vmul.u32 $0x18, v44  }
0xdc: {  	v3 =	vand.u32 $0x7, v3  }
0xdd: {  	v3 =	vor.u32 v3, v4  }
0xde: {  	v4 =	vperm.xlane v3, v0;
	_ =	sdelay $0x1  }
0xdf: {  	v4 =	vadd.s32 v1, v4;
	_ =	sdelay $0x1  }
0xe0: {  	v3 =	vperm.xlane v3, v2;
	_ =	sdelay $0x1  }
0xe1: {  	s25 =	simm.s32 $0x12200;
	v3 =	vadd.s32 v1, v3  }
0xe2: {  	[tilespmem:s25], [sflag:$0x2] =	stream.indirect_vreg.gather [hbm4b:s2+s3], $0x80, v4, vm0, $0xb8;
	[tilespmem:$0x18200] =	vst v63  }
0xe3: {  	s25 =	simm.s32 $0x12A00  }
0xe4: {  	[tilespmem:s25], [sflag:$0x2] =	stream.indirect_vreg.gather [hbm4b:s5+s3], $0x80, v4, vm1, $0xb8;
	[tilespmem:$0x18200] =	vst v63  }
0xe5: {  	s25 =	simm.s32 $0x12E00  }
0xe6: {  	[tilespmem:s25], [sflag:$0x2] =	stream.indirect_vreg.gather [hbm4b:s2+s3], $0x80, v3, vm0, $0xb8;
	[tilespmem:$0x18200] =	vst v63  }
0xe7: {  	s25 =	simm.s32 $0x13600  }
0xe8: {  	[tilespmem:s25], [sflag:$0x2] =	stream.indirect_vreg.gather [hbm4b:s5+s3], $0x80, v3, vm1, $0xb8;
	[tilespmem:$0x18200] =	vst v63  }
0xe9: {  	v3 =	vld [tilespmem:$0xD0];
	_ =	sdelay $0x4  }
0xea: {  	v45 =	vshrl.u32 v3, $0x3  }
0xeb: {  	v4 =	vmul.u32 $0x18, v45  }
0xec: {  	v3 =	vand.u32 $0x7, v3  }
0xed: {  	v3 =	vor.u32 v3, v4  }
0xee: {  	v4 =	vperm.xlane v3, v0;
	_ =	sdelay $0x1  }
0xef: {  	v4 =	vadd.s32 v1, v4;
	_ =	sdelay $0x1  }
0xf0: {  	v3 =	vperm.xlane v3, v2;
	_ =	sdelay $0x1  }
0xf1: {  	s25 =	simm.s32 $0x13A00;
	v3 =	vadd.s32 v1, v3  }
0xf2: {  	[tilespmem:s25], [sflag:$0x2] =	stream.indirect_vreg.gather [hbm4b:s2+s3], $0x80, v4, vm0, $0xb8;
	[tilespmem:$0x18200] =	vst v63  }
0xf3: {  	s25 =	simm.s32 $0x14200  }
0xf4: {  	[tilespmem:s25], [sflag:$0x2] =	stream.indirect_vreg.gather [hbm4b:s5+s3], $0x80, v4, vm1, $0xb8;
	[tilespmem:$0x18200] =	vst v63  }
0xf5: {  	s25 =	simm.s32 $0x14600  }
0xf6: {  	[tilespmem:s25], [sflag:$0x2] =	stream.indirect_vreg.gather [hbm4b:s2+s3], $0x80, v3, vm0, $0xb8;
	[tilespmem:$0x18200] =	vst v63  }
0xf7: {  	s25 =	simm.s32 $0x14E00  }
0xf8: {  	[tilespmem:s25], [sflag:$0x2] =	stream.indirect_vreg.gather [hbm4b:s5+s3], $0x80, v3, vm1, $0xb8;
	[tilespmem:$0x18200] =	vst v63  }
0xf9: {  	v3 =	vld [tilespmem:$0xE0];
	_ =	sdelay $0x4  }
0xfa: {  	v46 =	vshrl.u32 v3, $0x3  }
0xfb: {  	v4 =	vmul.u32 $0x18, v46  }
0xfc: {  	v3 =	vand.u32 $0x7, v3  }
0xfd: {  	v3 =	vor.u32 v3, v4  }
0xfe: {  	v4 =	vperm.xlane v3, v0;
	_ =	sdelay $0x1  }
0xff: {  	v4 =	vadd.s32 v1, v4;
	_ =	sdelay $0x1  }
0x100: {  	v3 =	vperm.xlane v3, v2;
	_ =	sdelay $0x1  }
0x101: {  	s25 =	simm.s32 $0x15200;
	v3 =	vadd.s32 v1, v3  }
0x102: {  	[tilespmem:s25], [sflag:$0x2] =	stream.indirect_vreg.gather [hbm4b:s2+s3], $0x80, v4, vm0, $0xb8;
	[tilespmem:$0x18200] =	vst v63  }
0x103: {  	s25 =	simm.s32 $0x15A00  }
0x104: {  	[tilespmem:s25], [sflag:$0x2] =	stream.indirect_vreg.gather [hbm4b:s5+s3], $0x80, v4, vm1, $0xb8;
	[tilespmem:$0x18200] =	vst v63  }
0x105: {  	s25 =	simm.s32 $0x15E00  }
0x106: {  	[tilespmem:s25], [sflag:$0x2] =	stream.indirect_vreg.gather [hbm4b:s2+s3], $0x80, v3, vm0, $0xb8;
	[tilespmem:$0x18200] =	vst v63  }
0x107: {  	s25 =	simm.s32 $0x16600  }
0x108: {  	[tilespmem:s25], [sflag:$0x2] =	stream.indirect_vreg.gather [hbm4b:s5+s3], $0x80, v3, vm1, $0xb8;
	[tilespmem:$0x18200] =	vst v63  }
0x109: {  	v3 =	vld [tilespmem:$0xF0];
	_ =	sdelay $0x4  }
0x10a: {  	v47 =	vshrl.u32 v3, $0x3  }
0x10b: {  	v4 =	vmul.u32 $0x18, v47  }
0x10c: {  	v3 =	vand.u32 $0x7, v3  }
0x10d: {  	v3 =	vor.u32 v3, v4  }
0x10e: {  	v4 =	vperm.xlane v3, v0;
	_ =	sdelay $0x1  }
0x10f: {  	v4 =	vadd.s32 v1, v4;
	_ =	sdelay $0x1  }
0x110: {  	v3 =	vperm.xlane v3, v2;
	_ =	sdelay $0x1  }
0x111: {  	s25 =	simm.s32 $0x16A00;
	v3 =	vadd.s32 v1, v3  }
0x112: {  	[tilespmem:s25], [sflag:$0x2] =	stream.indirect_vreg.gather [hbm4b:s2+s3], $0x80, v4, vm0, $0xb8;
	[tilespmem:$0x18200] =	vst v63  }
0x113: {  	s25 =	simm.s32 $0x17200  }
0x114: {  	[tilespmem:s25], [sflag:$0x2] =	stream.indirect_vreg.gather [hbm4b:s5+s3], $0x80, v4, vm1, $0xb8;
	[tilespmem:$0x18200] =	vst v63  }
0x115: {  	s25 =	simm.s32 $0x17600  }
0x116: {  	[tilespmem:s25], [sflag:$0x2] =	stream.indirect_vreg.gather [hbm4b:s2+s3], $0x80, v3, vm0, $0xb8;
	[tilespmem:$0x18200] =	vst v63  }
0x117: {  	s25 =	simm.s32 $0x17E00  }
0x118: {  	[tilespmem:s25], [sflag:$0x2] =	stream.indirect_vreg.gather [hbm4b:s5+s3], $0x80, v3, vm1, $0xb8;
	[tilespmem:$0x18200] =	vst v63  }
0x119: {  	_ =	swait.ge [sflag:s24], $0xC000  }
0x11a: {  	[sflag:s24] =	ssyncset.done $0x0  }
0x11b: {  	s1 =	simm.s32 $0x200;
	s25 =	rddreg [dreg:$0x7];
	[sflag:s24] =	ssyncadd.s32 $0xFFFF4000  }
0x11c: {  	[hbm4b:s25+s3] =	stream.linear.scatter [tilespmem:s1], [sflag:$0x3], $0xC000, $0x38;
	[tilespmem:$0x18200] =	vst v63  }
0x11d: {  	_ =	swait.ge [sflag:s7], $0xC000  }
0x11e: {  	[sflag:s7] =	ssyncset.done $0x0  }
0x11f: {  	[sflag:s7] =	ssyncadd.s32 $0xFFFF4000  }
0x120: {  	v3 =	vld [tilespmem:$0x100];
	_ =	sdelay $0x4  }
0x121: {  	v48 =	vshrl.u32 v3, $0x3  }
0x122: {  	v4 =	vmul.u32 $0x18, v48  }
0x123: {  	v3 =	vand.u32 $0x7, v3  }
0x124: {  	v3 =	vor.u32 v3, v4  }
0x125: {  	v4 =	vperm.xlane v3, v0;
	_ =	sdelay $0x1  }
0x126: {  	v4 =	vadd.s32 v1, v4;
	_ =	sdelay $0x1  }
0x127: {  	v3 =	vperm.xlane v3, v2;
	_ =	sdelay $0x1  }
0x128: {  	v3 =	vadd.s32 v1, v3  }
0x129: {  	[tilespmem:s1], [sflag:$0x1] =	stream.indirect_vreg.gather [hbm4b:s2+s3], $0x80, v4, vm0, $0xb8;
	[tilespmem:$0x18200] =	vst v63  }
0x12a: {  	_ = 	snop  }
0x12b: {  	[tilespmem:s26], [sflag:$0x1] =	stream.indirect_vreg.gather [hbm4b:s5+s3], $0x80, v4, vm1, $0xb8;
	[tilespmem:$0x18200] =	vst v63  }
0x12c: {  	_ = 	snop  }
0x12d: {  	[tilespmem:s28], [sflag:$0x1] =	stream.indirect_vreg.gather [hbm4b:s2+s3], $0x80, v3, vm0, $0xb8;
	[tilespmem:$0x18200] =	vst v63  }
0x12e: {  	_ = 	snop  }
0x12f: {  	[tilespmem:s29], [sflag:$0x1] =	stream.indirect_vreg.gather [hbm4b:s5+s3], $0x80, v3, vm1, $0xb8;
	[tilespmem:$0x18200] =	vst v63  }
0x130: {  	v3 =	vld [tilespmem:$0x110];
	_ =	sdelay $0x4  }
0x131: {  	v49 =	vshrl.u32 v3, $0x3  }
0x132: {  	v4 =	vmul.u32 $0x18, v49  }
0x133: {  	v3 =	vand.u32 $0x7, v3  }
0x134: {  	v3 =	vor.u32 v3, v4  }
0x135: {  	v4 =	vperm.xlane v3, v0;
	_ =	sdelay $0x1  }
0x136: {  	v4 =	vadd.s32 v1, v4;
	_ =	sdelay $0x1  }
0x137: {  	v3 =	vperm.xlane v3, v2;
	_ =	sdelay $0x1  }
0x138: {  	v3 =	vadd.s32 v1, v3  }
0x139: {  	[tilespmem:s30], [sflag:$0x1] =	stream.indirect_vreg.gather [hbm4b:s2+s3], $0x80, v4, vm0, $0xb8;
	[tilespmem:$0x18200] =	vst v63  }
0x13a: {  	_ = 	snop  }
0x13b: {  	[tilespmem:s31], [sflag:$0x1] =	stream.indirect_vreg.gather [hbm4b:s5+s3], $0x80, v4, vm1, $0xb8;
	[tilespmem:$0x18200] =	vst v63  }
0x13c: {  	s25 =	simm.s32 $0x2600  }
0x13d: {  	[tilespmem:s25], [sflag:$0x1] =	stream.indirect_vreg.gather [hbm4b:s2+s3], $0x80, v3, vm0, $0xb8;
	[tilespmem:$0x18200] =	vst v63  }
0x13e: {  	s25 =	simm.s32 $0x2E00  }
0x13f: {  	[tilespmem:s25], [sflag:$0x1] =	stream.indirect_vreg.gather [hbm4b:s5+s3], $0x80, v3, vm1, $0xb8;
	[tilespmem:$0x18200] =	vst v63  }
0x140: {  	v3 =	vld [tilespmem:$0x120];
	_ =	sdelay $0x4  }
0x141: {  	v50 =	vshrl.u32 v3, $0x3  }
0x142: {  	v4 =	vmul.u32 $0x18, v50  }
0x143: {  	v3 =	vand.u32 $0x7, v3  }
0x144: {  	v3 =	vor.u32 v3, v4  }
0x145: {  	v4 =	vperm.xlane v3, v0;
	_ =	sdelay $0x1  }
0x146: {  	v4 =	vadd.s32 v1, v4;
	_ =	sdelay $0x1  }
0x147: {  	v3 =	vperm.xlane v3, v2;
	_ =	sdelay $0x1  }
0x148: {  	v3 =	vadd.s32 v1, v3  }
0x149: {  	[tilespmem:s9], [sflag:$0x1] =	stream.indirect_vreg.gather [hbm4b:s2+s3], $0x80, v4, vm0, $0xb8;
	[tilespmem:$0x18200] =	vst v63  }
0x14a: {  	_ = 	snop  }
0x14b: {  	[tilespmem:s10], [sflag:$0x1] =	stream.indirect_vreg.gather [hbm4b:s5+s3], $0x80, v4, vm1, $0xb8;
	[tilespmem:$0x18200] =	vst v63  }
0x14c: {  	_ = 	snop  }
0x14d: {  	[tilespmem:s11], [sflag:$0x1] =	stream.indirect_vreg.gather [hbm4b:s2+s3], $0x80, v3, vm0, $0xb8;
	[tilespmem:$0x18200] =	vst v63  }
0x14e: {  	_ = 	snop  }
0x14f: {  	[tilespmem:s12], [sflag:$0x1] =	stream.indirect_vreg.gather [hbm4b:s5+s3], $0x80, v3, vm1, $0xb8;
	[tilespmem:$0x18200] =	vst v63  }
0x150: {  	v3 =	vld [tilespmem:$0x130];
	_ =	sdelay $0x4  }
0x151: {  	v51 =	vshrl.u32 v3, $0x3  }
0x152: {  	v4 =	vmul.u32 $0x18, v51  }
0x153: {  	v3 =	vand.u32 $0x7, v3  }
0x154: {  	v3 =	vor.u32 v3, v4  }
0x155: {  	v4 =	vperm.xlane v3, v0;
	_ =	sdelay $0x1  }
0x156: {  	v4 =	vadd.s32 v1, v4;
	_ =	sdelay $0x1  }
0x157: {  	v3 =	vperm.xlane v3, v2;
	_ =	sdelay $0x1  }
0x158: {  	v3 =	vadd.s32 v1, v3  }
0x159: {  	[tilespmem:s13], [sflag:$0x1] =	stream.indirect_vreg.gather [hbm4b:s2+s3], $0x80, v4, vm0, $0xb8;
	[tilespmem:$0x18200] =	vst v63  }
0x15a: {  	_ = 	snop  }
0x15b: {  	[tilespmem:s14], [sflag:$0x1] =	stream.indirect_vreg.gather [hbm4b:s5+s3], $0x80, v4, vm1, $0xb8;
	[tilespmem:$0x18200] =	vst v63  }
0x15c: {  	_ = 	snop  }
0x15d: {  	[tilespmem:s15], [sflag:$0x1] =	stream.indirect_vreg.gather [hbm4b:s2+s3], $0x80, v3, vm0, $0xb8;
	[tilespmem:$0x18200] =	vst v63  }
0x15e: {  	_ = 	snop  }
0x15f: {  	[tilespmem:s17], [sflag:$0x1] =	stream.indirect_vreg.gather [hbm4b:s5+s3], $0x80, v3, vm1, $0xb8;
	[tilespmem:$0x18200] =	vst v63  }
0x160: {  	v3 =	vld [tilespmem:$0x140];
	_ =	sdelay $0x4  }
0x161: {  	v52 =	vshrl.u32 v3, $0x3  }
0x162: {  	v4 =	vmul.u32 $0x18, v52  }
0x163: {  	v3 =	vand.u32 $0x7, v3  }
0x164: {  	v3 =	vor.u32 v3, v4  }
0x165: {  	v4 =	vperm.xlane v3, v0;
	_ =	sdelay $0x1  }
0x166: {  	v4 =	vadd.s32 v1, v4;
	_ =	sdelay $0x1  }
0x167: {  	v3 =	vperm.xlane v3, v2;
	_ =	sdelay $0x1  }
0x168: {  	v3 =	vadd.s32 v1, v3  }
0x169: {  	[tilespmem:s18], [sflag:$0x1] =	stream.indirect_vreg.gather [hbm4b:s2+s3], $0x80, v4, vm0, $0xb8;
	[tilespmem:$0x18200] =	vst v63  }
0x16a: {  	_ = 	snop  }
0x16b: {  	[tilespmem:s19], [sflag:$0x1] =	stream.indirect_vreg.gather [hbm4b:s5+s3], $0x80, v4, vm1, $0xb8;
	[tilespmem:$0x18200] =	vst v63  }
0x16c: {  	s25 =	simm.s32 $0x6E00  }
0x16d: {  	[tilespmem:s25], [sflag:$0x1] =	stream.indirect_vreg.gather [hbm4b:s2+s3], $0x80, v3, vm0, $0xb8;
	[tilespmem:$0x18200] =	vst v63  }
0x16e: {  	_ = 	snop  }
0x16f: {  	[tilespmem:s20], [sflag:$0x1] =	stream.indirect_vreg.gather [hbm4b:s5+s3], $0x80, v3, vm1, $0xb8;
	[tilespmem:$0x18200] =	vst v63  }
0x170: {  	v3 =	vld [tilespmem:$0x150];
	_ =	sdelay $0x4  }
0x171: {  	v53 =	vshrl.u32 v3, $0x3  }
0x172: {  	v4 =	vmul.u32 $0x18, v53  }
0x173: {  	v3 =	vand.u32 $0x7, v3  }
0x174: {  	v3 =	vor.u32 v3, v4  }
0x175: {  	v4 =	vperm.xlane v3, v0;
	_ =	sdelay $0x1  }
0x176: {  	v4 =	vadd.s32 v1, v4;
	_ =	sdelay $0x1  }
0x177: {  	v3 =	vperm.xlane v3, v2;
	_ =	sdelay $0x1  }
0x178: {  	v3 =	vadd.s32 v1, v3  }
0x179: {  	[tilespmem:s21], [sflag:$0x1] =	stream.indirect_vreg.gather [hbm4b:s2+s3], $0x80, v4, vm0, $0xb8;
	[tilespmem:$0x18200] =	vst v63  }
0x17a: {  	_ = 	snop  }
0x17b: {  	[tilespmem:s22], [sflag:$0x1] =	stream.indirect_vreg.gather [hbm4b:s5+s3], $0x80, v4, vm1, $0xb8;
	[tilespmem:$0x18200] =	vst v63  }
0x17c: {  	_ = 	snop  }
0x17d: {  	[tilespmem:s8], [sflag:$0x1] =	stream.indirect_vreg.gather [hbm4b:s2+s3], $0x80, v3, vm0, $0xb8;
	[tilespmem:$0x18200] =	vst v63  }
0x17e: {  	_ = 	snop  }
0x17f: {  	[tilespmem:s16], [sflag:$0x1] =	stream.indirect_vreg.gather [hbm4b:s5+s3], $0x80, v3, vm1, $0xb8;
	[tilespmem:$0x18200] =	vst v63  }
0x180: {  	v3 =	vld [tilespmem:$0x160];
	_ =	sdelay $0x4  }
0x181: {  	v54 =	vshrl.u32 v3, $0x3  }
0x182: {  	v4 =	vmul.u32 $0x18, v54  }
0x183: {  	v3 =	vand.u32 $0x7, v3  }
0x184: {  	v3 =	vor.u32 v3, v4  }
0x185: {  	v4 =	vperm.xlane v3, v0;
	_ =	sdelay $0x1  }
0x186: {  	v4 =	vadd.s32 v1, v4;
	_ =	sdelay $0x1  }
0x187: {  	v3 =	vperm.xlane v3, v2;
	_ =	sdelay $0x1  }
0x188: {  	v3 =	vadd.s32 v1, v3  }
0x189: {  	[tilespmem:s23], [sflag:$0x1] =	stream.indirect_vreg.gather [hbm4b:s2+s3], $0x80, v4, vm0, $0xb8;
	[tilespmem:$0x18200] =	vst v63  }
0x18a: {  	s25 =	simm.s32 $0x9A00  }
0x18b: {  	[tilespmem:s25], [sflag:$0x1] =	stream.indirect_vreg.gather [hbm4b:s5+s3], $0x80, v4, vm1, $0xb8;
	[tilespmem:$0x18200] =	vst v63  }
0x18c: {  	s25 =	simm.s32 $0x9E00  }
0x18d: {  	[tilespmem:s25], [sflag:$0x1] =	stream.indirect_vreg.gather [hbm4b:s2+s3], $0x80, v3, vm0, $0xb8;
	[tilespmem:$0x18200] =	vst v63  }
0x18e: {  	s25 =	simm.s32 $0xA600  }
0x18f: {  	[tilespmem:s25], [sflag:$0x1] =	stream.indirect_vreg.gather [hbm4b:s5+s3], $0x80, v3, vm1, $0xb8;
	[tilespmem:$0x18200] =	vst v63  }
0x190: {  	v3 =	vld [tilespmem:$0x170];
	_ =	sdelay $0x4  }
0x191: {  	v55 =	vshrl.u32 v3, $0x3  }
0x192: {  	v4 =	vmul.u32 $0x18, v55  }
0x193: {  	v3 =	vand.u32 $0x7, v3  }
0x194: {  	v3 =	vor.u32 v3, v4  }
0x195: {  	v4 =	vperm.xlane v3, v0;
	_ =	sdelay $0x1  }
0x196: {  	v4 =	vadd.s32 v1, v4;
	_ =	sdelay $0x1  }
0x197: {  	v3 =	vperm.xlane v3, v2;
	_ =	sdelay $0x1  }
0x198: {  	s25 =	simm.s32 $0xAA00;
	v3 =	vadd.s32 v1, v3  }
0x199: {  	[tilespmem:s25], [sflag:$0x1] =	stream.indirect_vreg.gather [hbm4b:s2+s3], $0x80, v4, vm0, $0xb8;
	[tilespmem:$0x18200] =	vst v63  }
0x19a: {  	s25 =	simm.s32 $0xB200  }
0x19b: {  	[tilespmem:s25], [sflag:$0x1] =	stream.indirect_vreg.gather [hbm4b:s5+s3], $0x80, v4, vm1, $0xb8;
	[tilespmem:$0x18200] =	vst v63  }
0x19c: {  	s25 =	simm.s32 $0xB600  }
0x19d: {  	[tilespmem:s25], [sflag:$0x1] =	stream.indirect_vreg.gather [hbm4b:s2+s3], $0x80, v3, vm0, $0xb8;
	[tilespmem:$0x18200] =	vst v63  }
0x19e: {  	s25 =	simm.s32 $0xBE00  }
0x19f: {  	[tilespmem:s25], [sflag:$0x1] =	stream.indirect_vreg.gather [hbm4b:s5+s3], $0x80, v3, vm1, $0xb8;
	[tilespmem:$0x18200] =	vst v63  }
0x1a0: {  	_ =	swait.ge [sflag:s4], $0xC000  }
0x1a1: {  	[sflag:s4] =	ssyncset.done $0x0  }
0x1a2: {  	s1 =	rddreg [dreg:$0x4];
	[sflag:s4] =	ssyncadd.s32 $0xFFFF4000  }
0x1a3: {  	[hbm4b:s1+s3] =	stream.linear.scatter [tilespmem:s0], [sflag:$0x3], $0xC000, $0x38;
	[tilespmem:$0x18200] =	vst v63  }
0x1a4: {  	_ =	swait.ge [sflag:s7], $0xC000  }
0x1a5: {  	[sflag:s7] =	ssyncset.done $0x0  }
0x1a6: {  	[sflag:s7] =	ssyncadd.s32 $0xFFFF4000  }
0x1a7: {  	v3 =	vld [tilespmem:$0x180];
	_ =	sdelay $0x4  }
0x1a8: {  	v56 =	vshrl.u32 v3, $0x3  }
0x1a9: {  	v4 =	vmul.u32 $0x18, v56  }
0x1aa: {  	v3 =	vand.u32 $0x7, v3  }
0x1ab: {  	v3 =	vor.u32 v3, v4  }
0x1ac: {  	v4 =	vperm.xlane v3, v0;
	_ =	sdelay $0x1  }
0x1ad: {  	v4 =	vadd.s32 v1, v4;
	_ =	sdelay $0x1  }
0x1ae: {  	v3 =	vperm.xlane v3, v2;
	_ =	sdelay $0x1  }
0x1af: {  	v3 =	vadd.s32 v1, v3  }
0x1b0: {  	[tilespmem:s0], [sflag:$0x2] =	stream.indirect_vreg.gather [hbm4b:s2+s3], $0x80, v4, vm0, $0xb8;
	[tilespmem:$0x18200] =	vst v63  }
0x1b1: {  	s25 =	simm.s32 $0xCA00  }
0x1b2: {  	[tilespmem:s25], [sflag:$0x2] =	stream.indirect_vreg.gather [hbm4b:s5+s3], $0x80, v4, vm1, $0xb8;
	[tilespmem:$0x18200] =	vst v63  }
0x1b3: {  	s25 =	simm.s32 $0xCE00  }
0x1b4: {  	[tilespmem:s25], [sflag:$0x2] =	stream.indirect_vreg.gather [hbm4b:s2+s3], $0x80, v3, vm0, $0xb8;
	[tilespmem:$0x18200] =	vst v63  }
0x1b5: {  	s25 =	simm.s32 $0xD600  }
0x1b6: {  	[tilespmem:s25], [sflag:$0x2] =	stream.indirect_vreg.gather [hbm4b:s5+s3], $0x80, v3, vm1, $0xb8;
	[tilespmem:$0x18200] =	vst v63  }
0x1b7: {  	v3 =	vld [tilespmem:$0x190];
	_ =	sdelay $0x4  }
0x1b8: {  	v57 =	vshrl.u32 v3, $0x3  }
0x1b9: {  	v4 =	vmul.u32 $0x18, v57  }
0x1ba: {  	v3 =	vand.u32 $0x7, v3  }
0x1bb: {  	v3 =	vor.u32 v3, v4  }
0x1bc: {  	v4 =	vperm.xlane v3, v0;
	_ =	sdelay $0x1  }
0x1bd: {  	v4 =	vadd.s32 v1, v4;
	_ =	sdelay $0x1  }
0x1be: {  	v3 =	vperm.xlane v3, v2;
	_ =	sdelay $0x1  }
0x1bf: {  	s25 =	simm.s32 $0xDA00;
	v3 =	vadd.s32 v1, v3  }
0x1c0: {  	[tilespmem:s25], [sflag:$0x2] =	stream.indirect_vreg.gather [hbm4b:s2+s3], $0x80, v4, vm0, $0xb8;
	[tilespmem:$0x18200] =	vst v63  }
0x1c1: {  	s25 =	simm.s32 $0xE200  }
0x1c2: {  	[tilespmem:s25], [sflag:$0x2] =	stream.indirect_vreg.gather [hbm4b:s5+s3], $0x80, v4, vm1, $0xb8;
	[tilespmem:$0x18200] =	vst v63  }
0x1c3: {  	s25 =	simm.s32 $0xE600  }
0x1c4: {  	[tilespmem:s25], [sflag:$0x2] =	stream.indirect_vreg.gather [hbm4b:s2+s3], $0x80, v3, vm0, $0xb8;
	[tilespmem:$0x18200] =	vst v63  }
0x1c5: {  	s25 =	simm.s32 $0xEE00  }
0x1c6: {  	[tilespmem:s25], [sflag:$0x2] =	stream.indirect_vreg.gather [hbm4b:s5+s3], $0x80, v3, vm1, $0xb8;
	[tilespmem:$0x18200] =	vst v63  }
0x1c7: {  	v3 =	vld [tilespmem:$0x1A0];
	_ =	sdelay $0x4  }
0x1c8: {  	v58 =	vshrl.u32 v3, $0x3  }
0x1c9: {  	v4 =	vmul.u32 $0x18, v58  }
0x1ca: {  	v3 =	vand.u32 $0x7, v3  }
0x1cb: {  	v3 =	vor.u32 v3, v4  }
0x1cc: {  	v4 =	vperm.xlane v3, v0;
	_ =	sdelay $0x1  }
0x1cd: {  	v4 =	vadd.s32 v1, v4;
	_ =	sdelay $0x1  }
0x1ce: {  	v3 =	vperm.xlane v3, v2;
	_ =	sdelay $0x1  }
0x1cf: {  	s25 =	simm.s32 $0xF200;
	v3 =	vadd.s32 v1, v3  }
0x1d0: {  	[tilespmem:s25], [sflag:$0x2] =	stream.indirect_vreg.gather [hbm4b:s2+s3], $0x80, v4, vm0, $0xb8;
	[tilespmem:$0x18200] =	vst v63  }
0x1d1: {  	s25 =	simm.s32 $0xFA00  }
0x1d2: {  	[tilespmem:s25], [sflag:$0x2] =	stream.indirect_vreg.gather [hbm4b:s5+s3], $0x80, v4, vm1, $0xb8;
	[tilespmem:$0x18200] =	vst v63  }
0x1d3: {  	s25 =	simm.s32 $0xFE00  }
0x1d4: {  	[tilespmem:s25], [sflag:$0x2] =	stream.indirect_vreg.gather [hbm4b:s2+s3], $0x80, v3, vm0, $0xb8;
	[tilespmem:$0x18200] =	vst v63  }
0x1d5: {  	s25 =	simm.s32 $0x10600  }
0x1d6: {  	[tilespmem:s25], [sflag:$0x2] =	stream.indirect_vreg.gather [hbm4b:s5+s3], $0x80, v3, vm1, $0xb8;
	[tilespmem:$0x18200] =	vst v63  }
0x1d7: {  	v3 =	vld [tilespmem:$0x1B0];
	_ =	sdelay $0x4  }
0x1d8: {  	v59 =	vshrl.u32 v3, $0x3  }
0x1d9: {  	v4 =	vmul.u32 $0x18, v59  }
0x1da: {  	v3 =	vand.u32 $0x7, v3  }
0x1db: {  	v3 =	vor.u32 v3, v4  }
0x1dc: {  	v4 =	vperm.xlane v3, v0;
	_ =	sdelay $0x1  }
0x1dd: {  	v4 =	vadd.s32 v1, v4;
	_ =	sdelay $0x1  }
0x1de: {  	v3 =	vperm.xlane v3, v2;
	_ =	sdelay $0x1  }
0x1df: {  	s25 =	simm.s32 $0x10A00;
	v3 =	vadd.s32 v1, v3  }
0x1e0: {  	[tilespmem:s25], [sflag:$0x2] =	stream.indirect_vreg.gather [hbm4b:s2+s3], $0x80, v4, vm0, $0xb8;
	[tilespmem:$0x18200] =	vst v63  }
0x1e1: {  	s25 =	simm.s32 $0x11200  }
0x1e2: {  	[tilespmem:s25], [sflag:$0x2] =	stream.indirect_vreg.gather [hbm4b:s5+s3], $0x80, v4, vm1, $0xb8;
	[tilespmem:$0x18200] =	vst v63  }
0x1e3: {  	s25 =	simm.s32 $0x11600  }
0x1e4: {  	[tilespmem:s25], [sflag:$0x2] =	stream.indirect_vreg.gather [hbm4b:s2+s3], $0x80, v3, vm0, $0xb8;
	[tilespmem:$0x18200] =	vst v63  }
0x1e5: {  	s25 =	simm.s32 $0x11E00  }
0x1e6: {  	[tilespmem:s25], [sflag:$0x2] =	stream.indirect_vreg.gather [hbm4b:s5+s3], $0x80, v3, vm1, $0xb8;
	[tilespmem:$0x18200] =	vst v63  }
0x1e7: {  	v3 =	vld [tilespmem:$0x1C0];
	_ =	sdelay $0x4  }
0x1e8: {  	v60 =	vshrl.u32 v3, $0x3  }
0x1e9: {  	v4 =	vmul.u32 $0x18, v60  }
0x1ea: {  	v3 =	vand.u32 $0x7, v3  }
0x1eb: {  	v3 =	vor.u32 v3, v4  }
0x1ec: {  	v4 =	vperm.xlane v3, v0;
	_ =	sdelay $0x1  }
0x1ed: {  	v4 =	vadd.s32 v1, v4;
	_ =	sdelay $0x1  }
0x1ee: {  	v3 =	vperm.xlane v3, v2;
	_ =	sdelay $0x1  }
0x1ef: {  	s25 =	simm.s32 $0x12200;
	v3 =	vadd.s32 v1, v3  }
0x1f0: {  	[tilespmem:s25], [sflag:$0x2] =	stream.indirect_vreg.gather [hbm4b:s2+s3], $0x80, v4, vm0, $0xb8;
	[tilespmem:$0x18200] =	vst v63  }
0x1f1: {  	s25 =	simm.s32 $0x12A00  }
0x1f2: {  	[tilespmem:s25], [sflag:$0x2] =	stream.indirect_vreg.gather [hbm4b:s5+s3], $0x80, v4, vm1, $0xb8;
	[tilespmem:$0x18200] =	vst v63  }
0x1f3: {  	s25 =	simm.s32 $0x12E00  }
0x1f4: {  	[tilespmem:s25], [sflag:$0x2] =	stream.indirect_vreg.gather [hbm4b:s2+s3], $0x80, v3, vm0, $0xb8;
	[tilespmem:$0x18200] =	vst v63  }
0x1f5: {  	s25 =	simm.s32 $0x13600  }
0x1f6: {  	[tilespmem:s25], [sflag:$0x2] =	stream.indirect_vreg.gather [hbm4b:s5+s3], $0x80, v3, vm1, $0xb8;
	[tilespmem:$0x18200] =	vst v63  }
0x1f7: {  	v3 =	vld [tilespmem:$0x1D0];
	_ =	sdelay $0x4  }
0x1f8: {  	v61 =	vshrl.u32 v3, $0x3  }
0x1f9: {  	v4 =	vmul.u32 $0x18, v61  }
0x1fa: {  	v3 =	vand.u32 $0x7, v3  }
0x1fb: {  	v3 =	vor.u32 v3, v4  }
0x1fc: {  	v4 =	vperm.xlane v3, v0;
	_ =	sdelay $0x1  }
0x1fd: {  	v4 =	vadd.s32 v1, v4;
	_ =	sdelay $0x1  }
0x1fe: {  	v3 =	vperm.xlane v3, v2;
	_ =	sdelay $0x1  }
0x1ff: {  	s25 =	simm.s32 $0x13A00;
	v3 =	vadd.s32 v1, v3  }
0x200: {  	[tilespmem:s25], [sflag:$0x2] =	stream.indirect_vreg.gather [hbm4b:s2+s3], $0x80, v4, vm0, $0xb8;
	[tilespmem:$0x18200] =	vst v63  }
0x201: {  	s25 =	simm.s32 $0x14200  }
0x202: {  	[tilespmem:s25], [sflag:$0x2] =	stream.indirect_vreg.gather [hbm4b:s5+s3], $0x80, v4, vm1, $0xb8;
	[tilespmem:$0x18200] =	vst v63  }
0x203: {  	s25 =	simm.s32 $0x14600  }
0x204: {  	[tilespmem:s25], [sflag:$0x2] =	stream.indirect_vreg.gather [hbm4b:s2+s3], $0x80, v3, vm0, $0xb8;
	[tilespmem:$0x18200] =	vst v63  }
0x205: {  	s25 =	simm.s32 $0x14E00  }
0x206: {  	[tilespmem:s25], [sflag:$0x2] =	stream.indirect_vreg.gather [hbm4b:s5+s3], $0x80, v3, vm1, $0xb8;
	[tilespmem:$0x18200] =	vst v63  }
0x207: {  	v3 =	vld [tilespmem:$0x1E0];
	_ =	sdelay $0x4  }
0x208: {  	v62 =	vshrl.u32 v3, $0x3  }
0x209: {  	v4 =	vmul.u32 $0x18, v62  }
0x20a: {  	v3 =	vand.u32 $0x7, v3  }
0x20b: {  	v3 =	vor.u32 v3, v4  }
0x20c: {  	v4 =	vperm.xlane v3, v0;
	_ =	sdelay $0x1  }
0x20d: {  	v4 =	vadd.s32 v1, v4;
	_ =	sdelay $0x1  }
0x20e: {  	v3 =	vperm.xlane v3, v2;
	_ =	sdelay $0x1  }
0x20f: {  	s25 =	simm.s32 $0x15200;
	v3 =	vadd.s32 v1, v3  }
0x210: {  	[tilespmem:s25], [sflag:$0x2] =	stream.indirect_vreg.gather [hbm4b:s2+s3], $0x80, v4, vm0, $0xb8;
	[tilespmem:$0x18200] =	vst v63  }
0x211: {  	s25 =	simm.s32 $0x15A00  }
0x212: {  	[tilespmem:s25], [sflag:$0x2] =	stream.indirect_vreg.gather [hbm4b:s5+s3], $0x80, v4, vm1, $0xb8;
	[tilespmem:$0x18200] =	vst v63  }
0x213: {  	s25 =	simm.s32 $0x15E00  }
0x214: {  	[tilespmem:s25], [sflag:$0x2] =	stream.indirect_vreg.gather [hbm4b:s2+s3], $0x80, v3, vm0, $0xb8;
	[tilespmem:$0x18200] =	vst v63  }
0x215: {  	s25 =	simm.s32 $0x16600  }
0x216: {  	[tilespmem:s25], [sflag:$0x2] =	stream.indirect_vreg.gather [hbm4b:s5+s3], $0x80, v3, vm1, $0xb8;
	[tilespmem:$0x18200] =	vst v63  }
0x217: {  	v3 =	vld [tilespmem:$0x1F0];
	_ =	sdelay $0x4  }
0x218: {  	v63 =	vshrl.u32 v3, $0x3  }
0x219: {  	v4 =	vmul.u32 $0x18, v63  }
0x21a: {  	v3 =	vand.u32 $0x7, v3  }
0x21b: {  	v3 =	vor.u32 v3, v4  }
0x21c: {  	v4 =	vperm.xlane v3, v0;
	_ =	sdelay $0x1  }
0x21d: {  	v4 =	vadd.s32 v1, v4;
	_ =	sdelay $0x1  }
0x21e: {  	v3 =	vperm.xlane v3, v2;
	_ =	sdelay $0x1  }
0x21f: {  	s25 =	simm.s32 $0x16A00;
	v3 =	vadd.s32 v1, v3  }
0x220: {  	[tilespmem:s25], [sflag:$0x2] =	stream.indirect_vreg.gather [hbm4b:s2+s3], $0x80, v4, vm0, $0xb8;
	[tilespmem:$0x18200] =	vst v63  }
0x221: {  	s25 =	simm.s32 $0x17200  }
0x222: {  	[tilespmem:s25], [sflag:$0x2] =	stream.indirect_vreg.gather [hbm4b:s5+s3], $0x80, v4, vm1, $0xb8;
	[tilespmem:$0x18200] =	vst v63  }
0x223: {  	s25 =	simm.s32 $0x17600  }
0x224: {  	[tilespmem:s25], [sflag:$0x2] =	stream.indirect_vreg.gather [hbm4b:s2+s3], $0x80, v3, vm0, $0xb8;
	[tilespmem:$0x18200] =	vst v63  }
0x225: {  	s25 =	simm.s32 $0x17E00  }
0x226: {  	[tilespmem:s25], [sflag:$0x2] =	stream.indirect_vreg.gather [hbm4b:s5+s3], $0x80, v3, vm1, $0xb8;
	[tilespmem:$0x18200] =	vst v63  }
0x227: {  	_ =	swait.ge [sflag:s24], $0xC000  }
0x228: {  	[sflag:s24] =	ssyncset.done $0x0  }
0x229: {  	s1 =	simm.s32 $0x200;
	s25 =	rddreg [dreg:$0x5];
	[sflag:s24] =	ssyncadd.s32 $0xFFFF4000  }
0x22a: {  	[hbm4b:s25+s3] =	stream.linear.scatter [tilespmem:s1], [sflag:$0x3], $0xC000, $0x38;
	[tilespmem:$0x18200] =	vst v63  }
0x22b: {  	_ =	swait.ge [sflag:s7], $0xC000  }
0x22c: {  	[sflag:s7] =	ssyncset.done $0x0  }
0x22d: {  	[sflag:s7] =	ssyncadd.s32 $0xFFFF4000  }
0x22e: {  	_ =	swait.ge [sflag:s4], $0xC000  }
0x22f: {  	p0 =	sne.s32 s6, $0x1;
	[sflag:s4] =	ssyncset.done $0x0  }
.Ltmp0:
0x230: {  	s1 =	rddreg [dreg:$0x6];
	[sflag:s4] =	ssyncadd.s32 $0xFFFF4000;
	(pc) =	sbr.rel @p0 .LBB2_1-.Ltmp0, $4  }
0x231: {  	[hbm4b:s1+s3] =	stream.linear.scatter [tilespmem:s0], [sflag:$0x3], $0xC000, $0x38;
	[tilespmem:$0x18200] =	vst v63  }
0x232: {  	_ =	swait.ge [sflag:s7], $0xC000  }
0x233: {  	[sflag:s7] =	ssyncset.done $0x0  }
0x234: {  	s6 =	sadd.s32 $0xFFFFFFFF, s6;
	[sflag:s7] =	ssyncadd.s32 $0xFFFF4000  }
0x235: {  	_ =	sfence.sel $0x180000  }
0x236: {  	[bflag:$0x0] =	sbarrier.arrive $0xFFFF  }
0x237: {  	_ =	strace $0x9000004A  }
0x238: {  	s0 =	stileid.u32;
	[bflag:$0x2] =	sbarrier.arrive $0xFFFF  }
0x239: {  	p0 =	sne.s32 s0, $0x0;
	s0 =	rddreg [dreg:$0x2]  }
0x23a: {  	s0 =	sadd.s32 @!p0 $0x100000, s0  }
0x23b: {  	[sflag:s0] =	ssyncadd.tile.s32 @!p0 $0x1;
	_ =	shalt  }
.Lfunc_end2:
_tile_overlayer_lowered:
.L_overlay_start_2:
0x23c: {  	(tag) =	ssettag $0x2  }
0x23d: {  	s0 =	rddreg [dreg:$0x0];
	s2 =	stileid.u32  }
0x23e: {  	s1 =	rddreg [dreg:$0x1];
	p0 =	sne.s32 s2, $0x0  }
0x23f: {  	s3 =	rddreg [dreg:$0x2];
	[bflag:$0x3] =	sbarrier.arrive $0xFFFF;
	s2 =	simm.s32 @!p0 $0x1C03  }
0x240: {  	[timem:s3], [sflag:s2] =	dma.local @!p0 [hbm:s0], s1  }
0x241: {  	s0 =	simm.s32 @!p0 $0x3  }
0x242: {  	_ =	swait.ge @!p0 [sflag:s0], s1  }
0x243: {  	s1 =	ssub.s32 @!p0 $0x0, s1;
	[sflag:s0] =	ssyncset.done @!p0 $0x0  }
0x244: {  	[sflag:s0] =	ssyncadd.s32 @!p0 s1  }
0x245: {  	[bflag:$0x3] =	sbarrier.arrive $0xFFFF  }
0x246: {  	_ =	shalt  }

// kernel: kernel.8.cloned.1.call-start
scs
__scs_entry_jumppad:
0x0: {  	(pc) =	sbr.rel $0x88, $3  }
0x1: {  	(tag) =	ssettag $0x0;
	lr =	simm.s32 $0x1  }
0x2: {  	[smem:$0x3F95] =	sst lr;
	_ =	strace $0xD0000000  }
0x3: {  	_ = 	snop  }
0x4: {  	_ = 	snop  }
0x5: {  	_ = 	snop  }
0x6: {  	_ = 	snop  }
0x7: {  	_ = 	snop  }
__scs_overlays_trampoline_lowered:
0x8: {  	[smem:$0x3FA4] =	sst s0  }
0x9: {  	[smem:$0x3FA5] =	sst s1  }
0xa: {  	[smem:$0x3FA6] =	sst s2  }
0xb: {  	[smem:$0x3FA7] =	sst s3  }
0xc: {  	[smem:$0x3FA8] =	sst s4  }
0xd: {  	[smem:$0x3FA9] =	sst s5  }
0xe: {  	[smem:$0x3FAA] =	sst s6  }
0xf: {  	[smem:$0x3FAB] =	sst s7  }
0x10: {  	[smem:$0x3FAC] =	sst s8  }
0x11: {  	[smem:$0x3FAD] =	sst s9;
	s0 =	simm.s32 @!p0 $0x0  }
0x12: {  	s1 =	sld [smem:$0x3F93];
	s0 =	simm.s32 @p0 $0x1  }
0x13: {  	[smem:$0x3FAE] =	sst s0;
	s0 =	simm.s32 @!p1 $0x0  }
0x14: {  	s2 =	sld [smem:$0x3F92];
	s0 =	simm.s32 @p1 $0x1  }
0x15: {  	[smem:$0x3FAF] =	sst s0;
	s0 =	simm.s32 @!p2 $0x0  }
0x16: {  	s3 =	sld [smem:$0x3FDB];
	s0 =	simm.s32 @p2 $0x1  }
0x17: {  	s4 =	simm.s32 $0x1BF5;
	[smem:$0x3FB1] =	sst s0  }
0x18: {  	s0 =	sld [smem:$0x3F94];
	_ =	swait.ge [sflag:s4], $0x0  }
0x19: {  	s7 =	sld [smem:$0x3F95]  }
0x1a: {  	s8 =	sadd.s32 $0xFFFFE003, lr  }
0x1b: {  	s9 =	sadd.s32 $0xFFFFFEF7, lr;
	s5 =	simm.s32 $0xFFFFFFFF;
	p2 =	slt.u32 s8, $0xFFFFF086  }
0x1c: {  	p1 =	slt.u32 s9, $0xF7A;
	s5 =	simm.s32 @!p2 $0x0  }
0x1d: {  	s5 =	simm.s32 @p1 $0x1;
	p0 =	seq.s32 s7, s2  }
0x1e: {  	s7 =	smul.u32 @!p0 $0xF7A, s2;
	p2 =	seq.s32 @!p0 s5, $0x0  }
0x1f: {  	s9 =	smul.u32 $0xF7A, s1;
	s8 =	simm.s32 @!p0 $0x1BF5;
	p2 =	por !p2, p0  }
0x20: {  	[sflag:s8] =	ssyncset.s32 @!p0 $0xFFFFF086;
	s6 =	sadd.s32 @!p0 s3, s7;
	s7 =	simm.s32 @!p0 $0x108  }
0x21: {  	s3 =	sadd.s32 s3, s9;
	s6 =	sadd.s32 @!p0 $0x88, s6;
	s7 =	simm.s32 @p2 $0x1082  }
0x22: {  	[simem:s7], [sflag:s8] =	dma.local @!p0 [hbm:s6], $0xF7A  }
0x23: {  	s9 =	sor.u32 $0xD0000000, s2;
	s6 =	simm.s32 $0x108;
	_ =	swait.ge @!p0 [sflag:s8], $0x0  }
0x24: {  	s3 =	sadd.s32 $0x88, s3;
	s6 =	simm.s32 @!p1 $0x1082;
	[sflag:s4] =	ssyncset.s32 $0xFFFFF086  }
0x25: {  	[simem:s6], [sflag:s4] =	dma.local [hbm:s3], $0xF7A  }
0x26: {  	[smem:$0x3F95] =	sst s1;
	(tag) =	ssettag s2;
	_ =	strace s9  }
0x27: {  	s1 =	sld [smem:$0x3FA5]  }
0x28: {  	s2 =	sld [smem:$0x3FA6]  }
0x29: {  	s4 =	sld [smem:$0x3FA8]  }
0x2a: {  	p0 =	seq.s32 s5, $0x0;
	s5 =	sld [smem:$0x3FA9]  }
0x2b: {  	s6 =	sld [smem:$0x3FAA]  }
0x2c: {  	s7 =	sld [smem:$0x3FAB]  }
0x2d: {  	s3 =	simm.s32 $0x108;
	s8 =	sld [smem:$0x3FAC]  }
0x2e: {  	s3 =	simm.s32 @!p0 $0x1082;
	s9 =	sld [smem:$0x3FAD]  }
0x2f: {  	lr =	sadd.s32 s0, s3;
	s0 =	sld [smem:$0x3FA4]  }
0x30: {  	s3 =	sld [smem:$0x3FA7]  }
0x31: {  	[smem:$0x3FB0] =	sst s10  }
0x32: {  	s10 =	sld [smem:$0x3FAE];
	_ =	sdelay $0x3  }
0x33: {  	p0 =	seq.s32 s10, $0x1;
	s10 =	sld [smem:$0x3FB0];
	_ =	sdelay $0x3  }
0x34: {  	[smem:$0x3FB0] =	sst s10  }
0x35: {  	s10 =	sld [smem:$0x3FAF];
	_ =	sdelay $0x3  }
0x36: {  	p1 =	seq.s32 s10, $0x1;
	s10 =	sld [smem:$0x3FB0];
	_ =	sdelay $0x3  }
0x37: {  	[smem:$0x3FB0] =	sst s10  }
0x38: {  	s10 =	sld [smem:$0x3FB1]  }
0x39: {  	_ = 	snop;
	(pc) =	sbr.ind lr, $3  }
0x3a: {  	_ = 	snop  }
0x3b: {  	_ = 	snop  }
0x3c: {  	p2 =	seq.s32 s10, $0x1;
	s10 =	sld [smem:$0x3FB0]  }
0x3d: {  	_ =	shalt  }
0x3e: {  	_ =	shalt  }
0x3f: {  	_ =	shalt  }
0x40: {  	_ =	shalt  }
0x41: {  	_ =	shalt  }
0x42: {  	_ =	shalt  }
0x43: {  	_ =	shalt  }
0x44: {  	_ =	shalt  }
0x45: {  	_ =	shalt  }
0x46: {  	_ =	shalt  }
0x47: {  	_ =	shalt  }
0x48: {  	_ =	shalt  }
0x49: {  	_ =	shalt  }
0x4a: {  	_ =	shalt  }
0x4b: {  	_ =	shalt  }
0x4c: {  	_ =	shalt  }
0x4d: {  	_ =	shalt  }
0x4e: {  	_ =	shalt  }
0x4f: {  	_ =	shalt  }
0x50: {  	_ =	shalt  }
0x51: {  	_ =	shalt  }
0x52: {  	_ =	shalt  }
0x53: {  	_ =	shalt  }
0x54: {  	_ =	shalt  }
0x55: {  	_ =	shalt  }
0x56: {  	_ =	shalt  }
0x57: {  	_ =	shalt  }
0x58: {  	_ =	shalt  }
0x59: {  	_ =	shalt  }
0x5a: {  	_ =	shalt  }
0x5b: {  	_ =	shalt  }
0x5c: {  	_ =	shalt  }
0x5d: {  	_ =	shalt  }
0x5e: {  	_ =	shalt  }
0x5f: {  	_ =	shalt  }
0x60: {  	_ =	shalt  }
0x61: {  	_ =	shalt  }
0x62: {  	_ =	shalt  }
0x63: {  	_ =	shalt  }
0x64: {  	_ =	shalt  }
0x65: {  	_ =	shalt  }
0x66: {  	_ =	shalt  }
0x67: {  	_ =	shalt  }
0x68: {  	_ =	shalt  }
0x69: {  	_ =	shalt  }
0x6a: {  	_ =	shalt  }
0x6b: {  	_ =	shalt  }
0x6c: {  	_ =	shalt  }
0x6d: {  	_ =	shalt  }
0x6e: {  	_ =	shalt  }
0x6f: {  	_ =	shalt  }
0x70: {  	_ =	shalt  }
0x71: {  	_ =	shalt  }
0x72: {  	_ =	shalt  }
0x73: {  	_ =	shalt  }
0x74: {  	_ =	shalt  }
0x75: {  	_ =	shalt  }
0x76: {  	_ =	shalt  }
0x77: {  	_ =	shalt  }
0x78: {  	_ =	shalt  }
0x79: {  	_ =	shalt  }
0x7a: {  	_ =	shalt  }
0x7b: {  	_ =	shalt  }
0x7c: {  	_ =	shalt  }
0x7d: {  	_ =	shalt  }
0x7e: {  	_ =	shalt  }
0x7f: {  	_ =	shalt  }
0x80: {  	_ =	shalt  }
0x81: {  	_ =	shalt  }
0x82: {  	_ =	shalt  }
0x83: {  	_ =	shalt  }
0x84: {  	_ =	shalt  }
0x85: {  	_ =	shalt  }
0x86: {  	_ =	shalt  }
0x87: {  	_ =	shalt  }
.Lfunc_end0:
.L_simem_size_0:
called_computation.1_lowered:
.L_overlay_start_0:
0x88: {  	s2 =	sld [smem:$0x3FD9]  }
0x89: {  	s3 =	sld [smem:$0x3FFE];
	_ =	sdelay $0x1  }
0x8a: {  	s1 =	srdreg.scid  }
0x8b: {  	s0 =	sand.u32 $0x1, s1  }
0x8c: {  	s17 =	sshll.u32 s0, $0xA;
	s2 =	sadd.s32 s3, s2  }
0x8d: {  	s2 =	sadd.s32 s2, s17  }
0x8e: {  	[smem:$0x3FBC] =	sst s2  }
0x8f: {  	_ = 	snop  }
0x90: {  	s2 =	sld [smem:$0x3FD0];
	(tm) =	ssettm $0x1  }
0x91: {  	s18 =	sld [smem:$0x3FFB];
	_ =	sdelay $0x3  }
0x92: {  	_ =	strace s18  }
0x93: {  	s3 =	sld [smem:$0x3FFC];
	_ =	sdelay $0x3  }
0x94: {  	_ =	strace s3  }
0x95: {  	s3 =	sld [smem:$0x3FFD];
	_ =	sdelay $0x3  }
0x96: {  	_ =	strace s3  }
0x97: {  	_ =	strace $0x8FFFFFFF  }
0x98: {  	s19 =	sld [smem:$0x3FDB];
	_ =	sdelay $0x1  }
0x99: {  	s4 =	simm.s32 $_scs_section_size  }
0x9a: {  	s5 =	simm.s32 $_size__tile_overlayer_lowered;
	s6 =	simm.s32 $_tile_overlayer_lowered  }
0x9b: {  	s22 =	simm.s32 $0x1BFF;
	s21 =	sshll.u32 s6, $0x1;
	s3 =	sadd.s32 s4, s19  }
0x9c: {  	s7 =	simm.s32 $0x0;
	s20 =	sshll.u32 s5, $0x1;
	s5 =	sadd.s32 s21, s3  }
0x9d: {  	[timem:s7], [sflag:s22] =	dma.local [hbm:s5], s20  }
0x9e: {  	_ =	swait.ge [sflag:s22], s20  }
0x9f: {  	s4 =	ssub.s32 $0x0, s20;
	[sflag:s22] =	ssyncset.done $0x0  }
0xa0: {  	[sflag:s22] =	ssyncadd.s32 s4;
	_ =	sdelay $0x1  }
0xa1: {  	s23 =	simm.s32 $0x1B8B  }
0xa2: {  	_ =	swait.ge [sflag:s23], $0x1  }
0xa3: {  	[sflag:s23] =	ssyncset.done $0x0  }
0xa4: {  	s25 =	simm.s32 $0x1B8E;
	s24 =	sld [smem:$0x3FFE];
	[sflag:s23] =	ssyncadd.s32 $0xFFFFFFFF  }
0xa5: {  	s26 =	simm.s32 $execute0_lowered;
	[smem:$0x3FD2] =	sst s25  }
0xa6: {  	s5 =	sshll.u32 s26, $0x1;
	_ =	strace $0x80000046;
	[dreg:$0x1] =	wrdreg $0xFFFFFFFF  }
0xa7: {  	s28 =	simm.s32 $_size_execute0_lowered;
	s3 =	sadd.s32 s3, s5;
	[dreg:$0x0] =	wrdreg $0x0  }
0xa8: {  	s5 =	sshll.u32 s28, $0x1;
	[dreg:$0x2] =	wrdreg s3  }
0xa9: {  	[dreg:$0x3] =	wrdreg s5  }
0xaa: {  	[dreg:$0x4] =	wrdreg $0xC0  }
0xab: {  	_ =	task [dreg:s7], $0x5FFFF  }
0xac: {  	[dreg:$0x1] =	wrdreg $0xFFFFFFFF  }
0xad: {  	[dreg:$0x0] =	wrdreg $0x60  }
0xae: {  	[dreg:$0x2] =	wrdreg s24  }
0xaf: {  	[dreg:$0x3] =	wrdreg s2  }
0xb0: {  	[dreg:$0x4] =	wrdreg $0xA  }
0xb1: {  	_ =	task.clear_ibuf [dreg:s7], $0x5FFFF;
	_ =	strace $0x90000046  }
0xb2: {  	s29 =	simm.s32 $0xA;
	_ =	strace $0x80000048  }
0xb3: {  	_ =	swait.ge [sflag:s29], $0x1  }
0xb4: {  	[sflag:s29] =	ssyncadd.s32 $0xFFFFFFFF  }
0xb5: {  	_ =	strace $0x90000048  }
0xb6: {  	_ =	sfence  }
0xb7: {  	s30 =	sld [smem:$0x0];
	_ =	sdelay $0x2  }
0xb8: {  	s31 =	sshll.u32 s1, $0xD;
	s1 =	sshrl.u32 s1, $0x2  }
0xb9: {  	s3 =	sand.u32 $0x4000, s31;
	s1 =	sadd.s32 s1, s30  }
0xba: {  	s0 =	sor.u32 s3, s0;
	s1 =	sshll.u32 s1, $0x11  }
0xbb: {  	s0 =	sor.u32 s1, s0  }
0xbc: {  	s0 =	sadd.s32 $0x8F2B, s0  }
0xbd: {  	[sflag:s0] =	ssyncadd.remote.s32 $0x1  }
0xbe: {  	_ =	sfence.sel $0xFFFF  }
0xbf: {  	[dreg:$0x0] =	wrdreg $0xFFFFFFFF;
	(pc) =	sbr.abs _section_cstart, $3  }
0xc0: {  	[dreg:$0x1] =	wrdreg $0xFFFFFFFF  }
0xc1: {  	_ =	task.clear_ibuf [dreg:s7], $0x2FFFF;
	_ =	strace $0x9FFFFFFF  }
0xc2: {  	(tm) =	ssettm $0x7FFFFFFF  }
0xc3: {  	_ =	shalt  }
tec
execute0_lowered:
.L_overlay_start_1:
0x0: {  	(tag) =	ssettag $0x1  }
0x1: {  	s1 =	srdreg.scid  }
0x2: {  	s0 =	stileid.u32;
	s23 =	sand.u32 $0x1, s1  }
0x3: {  	s15 =	rddreg [dreg:$0x0];
	s30 =	sshll.u32 s0, $0xA;
	s3 =	sshll.u32 s23, $0x9  }
0x4: {  	s2 =	rddreg [dreg:$0x1];
	s14 =	sor.u32 s3, s30  }
0x5: {  	s1 =	rddreg [dreg:$0x2];
	s3 =	simm.s32 $0x0;
	s4 =	sshrl.u32 s14, $0x3  }
0x6: {  	[smem:$0x7FF] =	sst s3;
	s4 =	sadd.s32 s4, s15  }
0x7: {  	_ =	strace $0x80000047;
	s5 =	sadd.s32 $0x2000, s4;
	s4 =	simm.s32 $0x3  }
0x8: {  	[tilespmem:s3], [sflag:$0x3] =	stream.linear.gather [hbm4b:s5+s3], $0x200, $0x38;
	[tilespmem:$0x8280] =	vst v63  }
0x9: {  	_ =	swait.ge [sflag:s4], $0x200  }
0xa: {  	s7 =	simm.s32 $0x80;
	[sflag:s4] =	ssyncset.done $0x0  }
0xb: {  	s8 =	simm.s32 $0x4200;
	s6 =	sadd.s32 $0x30FC00, s15;
	[sflag:s4] =	ssyncadd.s32 $0xFFFFFE00  }
0xc: {  	[tilespmem:s8], [sflag:$0x2] =	stream.indirect.gather [hbm4b:s6+s7], $0x1, s3, s7, $0xb8;
	[tilespmem:$0x8280] =	vst v63  }
0xd: {  	s10 =	simm.s32 $0x200;
	s11 =	simm.s32 $0x2;
	s9 =	sadd.s32 $0x499800, s15  }
0xe: {  	[tilespmem:s10], [sflag:$0x1] =	stream.indirect.gather [hbm4b:s9+s7], $0x80, s3, s7, $0xb8;
	[tilespmem:$0x8280] =	vst v63  }
0xf: {  	_ =	swait.ge [sflag:s11], $0x80  }
0x10: {  	[sflag:s11] =	ssyncset.done $0x0  }
0x11: {  	s12 =	simm.s32 $0x4280;
	s13 =	simm.s32 $0x1;
	[sflag:s11] =	ssyncadd.s32 $0xFFFFFF80  }
0x12: {  	[tilespmem:s12], [sflag:$0x2] =	stream.indirect.gather [hbm4b:s2+s7], $0x80, s8, s7, $0xb8;
	[tilespmem:$0x8280] =	vst v63  }
0x13: {  	_ =	swait.ge [sflag:s13], $0x4000  }
0x14: {  	s22 =	sadd.s32 $0x312E00, s15;
	s25 =	sshll.u32 s14, $0x4;
	[sflag:s13] =	ssyncset.done $0x0  }
0x15: {  	s14 =	sadd.s32 s22, s25;
	[sflag:s13] =	ssyncadd.s32 $0xFFFFC000  }
0x16: {  	[hbm4b:s14+s3] =	stream.linear.scatter [tilespmem:s10], [sflag:$0x3], $0x4000, $0x38;
	[tilespmem:$0x8280] =	vst v63  }
0x17: {  	_ =	swait.ge [sflag:s4], $0x4000  }
0x18: {  	[sflag:s4] =	ssyncset.done $0x0  }
0x19: {  	[sflag:s4] =	ssyncadd.s32 $0xFFFFC000  }
0x1a: {  	_ =	swait.ge [sflag:s11], $0x4000  }
0x1b: {  	s24 =	sadd.s32 $0x352E00, s15;
	[sflag:s11] =	ssyncset.done $0x0  }
0x1c: {  	s15 =	sadd.s32 s24, s25;
	[sflag:s11] =	ssyncadd.s32 $0xFFFFC000  }
0x1d: {  	[hbm4b:s15+s3] =	stream.linear.scatter [tilespmem:s12], [sflag:$0x3], $0x4000, $0x38;
	[tilespmem:$0x8280] =	vst v63  }
0x1e: {  	_ =	swait.ge [sflag:s4], $0x4000  }
0x1f: {  	[sflag:s4] =	ssyncset.done $0x0  }
0x20: {  	[sflag:s4] =	ssyncadd.s32 $0xFFFFC000  }
0x21: {  	[tilespmem:s8], [sflag:$0x2] =	stream.indirect.gather [hbm4b:s6+s7], $0x1, s7, s7, $0xb8;
	[tilespmem:$0x8280] =	vst v63  }
0x22: {  	_ = 	snop  }
0x23: {  	[tilespmem:s10], [sflag:$0x1] =	stream.indirect.gather [hbm4b:s9+s7], $0x80, s7, s7, $0xb8;
	[tilespmem:$0x8280] =	vst v63  }
0x24: {  	_ =	swait.ge [sflag:s11], $0x80  }
0x25: {  	[sflag:s11] =	ssyncset.done $0x0  }
0x26: {  	[sflag:s11] =	ssyncadd.s32 $0xFFFFFF80  }
0x27: {  	[tilespmem:s12], [sflag:$0x2] =	stream.indirect.gather [hbm4b:s2+s7], $0x80, s8, s7, $0xb8;
	[tilespmem:$0x8280] =	vst v63  }
0x28: {  	_ =	swait.ge [sflag:s13], $0x4000  }
0x29: {  	s17 =	sor.u32 $0x800, s25;
	[sflag:s13] =	ssyncset.done $0x0  }
0x2a: {  	s16 =	sadd.s32 s22, s17;
	[sflag:s13] =	ssyncadd.s32 $0xFFFFC000  }
0x2b: {  	[hbm4b:s16+s3] =	stream.linear.scatter [tilespmem:s10], [sflag:$0x3], $0x4000, $0x38;
	[tilespmem:$0x8280] =	vst v63  }
0x2c: {  	_ =	swait.ge [sflag:s4], $0x4000  }
0x2d: {  	[sflag:s4] =	ssyncset.done $0x0  }
0x2e: {  	[sflag:s4] =	ssyncadd.s32 $0xFFFFC000  }
0x2f: {  	_ =	swait.ge [sflag:s11], $0x4000  }
0x30: {  	[sflag:s11] =	ssyncset.done $0x0  }
0x31: {  	s17 =	sadd.s32 s24, s17;
	[sflag:s11] =	ssyncadd.s32 $0xFFFFC000  }
0x32: {  	[hbm4b:s17+s3] =	stream.linear.scatter [tilespmem:s12], [sflag:$0x3], $0x4000, $0x38;
	[tilespmem:$0x8280] =	vst v63  }
0x33: {  	_ =	swait.ge [sflag:s4], $0x4000  }
0x34: {  	[sflag:s4] =	ssyncset.done $0x0  }
0x35: {  	s18 =	simm.s32 $0x100;
	[sflag:s4] =	ssyncadd.s32 $0xFFFFC000  }
0x36: {  	[tilespmem:s8], [sflag:$0x2] =	stream.indirect.gather [hbm4b:s6+s7], $0x1, s18, s7, $0xb8;
	[tilespmem:$0x8280] =	vst v63  }
0x37: {  	_ = 	snop  }
0x38: {  	[tilespmem:s10], [sflag:$0x1] =	stream.indirect.gather [hbm4b:s9+s7], $0x80, s18, s7, $0xb8;
	[tilespmem:$0x8280] =	vst v63  }
0x39: {  	_ =	swait.ge [sflag:s11], $0x80  }
0x3a: {  	[sflag:s11] =	ssyncset.done $0x0  }
0x3b: {  	[sflag:s11] =	ssyncadd.s32 $0xFFFFFF80  }
0x3c: {  	[tilespmem:s12], [sflag:$0x2] =	stream.indirect.gather [hbm4b:s2+s7], $0x80, s8, s7, $0xb8;
	[tilespmem:$0x8280] =	vst v63  }
0x3d: {  	_ =	swait.ge [sflag:s13], $0x4000  }
0x3e: {  	s20 =	sor.u32 $0x1000, s25;
	[sflag:s13] =	ssyncset.done $0x0  }
0x3f: {  	s19 =	sadd.s32 s22, s20;
	[sflag:s13] =	ssyncadd.s32 $0xFFFFC000  }
0x40: {  	[hbm4b:s19+s3] =	stream.linear.scatter [tilespmem:s10], [sflag:$0x3], $0x4000, $0x38;
	[tilespmem:$0x8280] =	vst v63  }
0x41: {  	_ =	swait.ge [sflag:s4], $0x4000  }
0x42: {  	[sflag:s4] =	ssyncset.done $0x0  }
0x43: {  	[sflag:s4] =	ssyncadd.s32 $0xFFFFC000  }
0x44: {  	_ =	swait.ge [sflag:s11], $0x4000  }
0x45: {  	[sflag:s11] =	ssyncset.done $0x0  }
0x46: {  	s20 =	sadd.s32 s24, s20;
	[sflag:s11] =	ssyncadd.s32 $0xFFFFC000  }
0x47: {  	[hbm4b:s20+s3] =	stream.linear.scatter [tilespmem:s12], [sflag:$0x3], $0x4000, $0x38;
	[tilespmem:$0x8280] =	vst v63  }
0x48: {  	_ =	swait.ge [sflag:s4], $0x4000  }
0x49: {  	[sflag:s4] =	ssyncset.done $0x0  }
0x4a: {  	s21 =	simm.s32 $0x180;
	[sflag:s4] =	ssyncadd.s32 $0xFFFFC000  }
0x4b: {  	[tilespmem:s8], [sflag:$0x2] =	stream.indirect.gather [hbm4b:s6+s7], $0x1, s21, s7, $0xb8;
	[tilespmem:$0x8280] =	vst v63  }
0x4c: {  	_ = 	snop  }
0x4d: {  	[tilespmem:s10], [sflag:$0x1] =	stream.indirect.gather [hbm4b:s9+s7], $0x80, s21, s7, $0xb8;
	[tilespmem:$0x8280] =	vst v63  }
0x4e: {  	_ =	swait.ge [sflag:s11], $0x80  }
0x4f: {  	[sflag:s11] =	ssyncset.done $0x0  }
0x50: {  	[sflag:s11] =	ssyncadd.s32 $0xFFFFFF80  }
0x51: {  	[tilespmem:s12], [sflag:$0x2] =	stream.indirect.gather [hbm4b:s2+s7], $0x80, s8, s7, $0xb8;
	[tilespmem:$0x8280] =	vst v63  }
0x52: {  	_ =	swait.ge [sflag:s13], $0x4000  }
0x53: {  	s25 =	sor.u32 $0x1800, s25;
	[sflag:s13] =	ssyncset.done $0x0  }
0x54: {  	s23 =	ssub.s32 $0x2, s23;
	s22 =	sadd.s32 s22, s25;
	[sflag:s13] =	ssyncadd.s32 $0xFFFFC000  }
0x55: {  	[hbm4b:s22+s3] =	stream.linear.scatter [tilespmem:s10], [sflag:$0x3], $0x4000, $0x38;
	[tilespmem:$0x8280] =	vst v63  }
0x56: {  	s26 =	sshrl.u32 s23, $0x1;
	_ =	swait.ge [sflag:s4], $0x4000  }
0x57: {  	s26 =	ssub.s32 s23, s26;
	[sflag:s4] =	ssyncset.done $0x0  }
0x58: {  	s31 =	smax.u32 s26, $0x1;
	[sflag:s4] =	ssyncadd.s32 $0xFFFFC000  }
0x59: {  	p0 =	sne.s32 s31, $0x1;
	_ =	swait.ge [sflag:s11], $0x4000  }
.Ltmp0:
0x5a: {  	[sflag:s11] =	ssyncset.done $0x0;
	(pc) =	sbr.rel @!p0 .LBB2_2-.Ltmp0, $4  }
0x5b: {  	s23 =	sadd.s32 s24, s25;
	[sflag:s11] =	ssyncadd.s32 $0xFFFFC000  }
0x5c: {  	[hbm4b:s23+s3] =	stream.linear.scatter [tilespmem:s12], [sflag:$0x3], $0x4000, $0x38;
	[tilespmem:$0x8280] =	vst v63  }
0x5d: {  	_ =	swait.ge [sflag:s4], $0x4000  }
0x5e: {  	s24 =	sadd.s32 $0xFFFFFFFF, s31;
	[sflag:s4] =	ssyncset.done $0x0  }
.LBB2_1:
0x5f: {  	p0 =	sne.s32 s24, $0x1;
	s24 =	sadd.s32 $0xFFFFFFFF, s24;
	[sflag:s4] =	ssyncadd.s32 $0xFFFFC000  }
0x60: {  	[tilespmem:s3], [sflag:$0x3] =	stream.linear.gather [hbm4b:s5+s3], $0x200, $0x38;
	[tilespmem:$0x8280] =	vst v63  }
0x61: {  	_ =	swait.ge [sflag:s4], $0x200  }
0x62: {  	[sflag:s4] =	ssyncset.done $0x0  }
0x63: {  	[sflag:s4] =	ssyncadd.s32 $0xFFFFFE00  }
0x64: {  	[tilespmem:s8], [sflag:$0x2] =	stream.indirect.gather [hbm4b:s6+s7], $0x1, s3, s7, $0xb8;
	[tilespmem:$0x8280] =	vst v63  }
0x65: {  	_ = 	snop  }
0x66: {  	[tilespmem:s10], [sflag:$0x1] =	stream.indirect.gather [hbm4b:s9+s7], $0x80, s3, s7, $0xb8;
	[tilespmem:$0x8280] =	vst v63  }
0x67: {  	_ =	swait.ge [sflag:s11], $0x80  }
0x68: {  	[sflag:s11] =	ssyncset.done $0x0  }
0x69: {  	[sflag:s11] =	ssyncadd.s32 $0xFFFFFF80  }
0x6a: {  	[tilespmem:s12], [sflag:$0x2] =	stream.indirect.gather [hbm4b:s2+s7], $0x80, s8, s7, $0xb8;
	[tilespmem:$0x8280] =	vst v63  }
0x6b: {  	_ =	swait.ge [sflag:s13], $0x4000  }
0x6c: {  	[sflag:s13] =	ssyncset.done $0x0  }
0x6d: {  	[sflag:s13] =	ssyncadd.s32 $0xFFFFC000  }
0x6e: {  	[hbm4b:s14+s3] =	stream.linear.scatter [tilespmem:s10], [sflag:$0x3], $0x4000, $0x38;
	[tilespmem:$0x8280] =	vst v63  }
0x6f: {  	_ =	swait.ge [sflag:s4], $0x4000  }
0x70: {  	[sflag:s4] =	ssyncset.done $0x0  }
0x71: {  	[sflag:s4] =	ssyncadd.s32 $0xFFFFC000  }
0x72: {  	_ =	swait.ge [sflag:s11], $0x4000  }
0x73: {  	[sflag:s11] =	ssyncset.done $0x0  }
0x74: {  	[sflag:s11] =	ssyncadd.s32 $0xFFFFC000  }
0x75: {  	[hbm4b:s15+s3] =	stream.linear.scatter [tilespmem:s12], [sflag:$0x3], $0x4000, $0x38;
	[tilespmem:$0x8280] =	vst v63  }
0x76: {  	_ =	swait.ge [sflag:s4], $0x4000  }
0x77: {  	[sflag:s4] =	ssyncset.done $0x0  }
0x78: {  	[sflag:s4] =	ssyncadd.s32 $0xFFFFC000  }
0x79: {  	[tilespmem:s8], [sflag:$0x2] =	stream.indirect.gather [hbm4b:s6+s7], $0x1, s7, s7, $0xb8;
	[tilespmem:$0x8280] =	vst v63  }
0x7a: {  	_ = 	snop  }
0x7b: {  	[tilespmem:s10], [sflag:$0x1] =	stream.indirect.gather [hbm4b:s9+s7], $0x80, s7, s7, $0xb8;
	[tilespmem:$0x8280] =	vst v63  }
0x7c: {  	_ =	swait.ge [sflag:s11], $0x80  }
0x7d: {  	[sflag:s11] =	ssyncset.done $0x0  }
0x7e: {  	[sflag:s11] =	ssyncadd.s32 $0xFFFFFF80  }
0x7f: {  	[tilespmem:s12], [sflag:$0x2] =	stream.indirect.gather [hbm4b:s2+s7], $0x80, s8, s7, $0xb8;
	[tilespmem:$0x8280] =	vst v63  }
0x80: {  	_ =	swait.ge [sflag:s13], $0x4000  }
0x81: {  	[sflag:s13] =	ssyncset.done $0x0  }
0x82: {  	[sflag:s13] =	ssyncadd.s32 $0xFFFFC000  }
0x83: {  	[hbm4b:s16+s3] =	stream.linear.scatter [tilespmem:s10], [sflag:$0x3], $0x4000, $0x38;
	[tilespmem:$0x8280] =	vst v63  }
0x84: {  	_ =	swait.ge [sflag:s4], $0x4000  }
0x85: {  	[sflag:s4] =	ssyncset.done $0x0  }
0x86: {  	[sflag:s4] =	ssyncadd.s32 $0xFFFFC000  }
0x87: {  	_ =	swait.ge [sflag:s11], $0x4000  }
0x88: {  	[sflag:s11] =	ssyncset.done $0x0  }
0x89: {  	[sflag:s11] =	ssyncadd.s32 $0xFFFFC000  }
0x8a: {  	[hbm4b:s17+s3] =	stream.linear.scatter [tilespmem:s12], [sflag:$0x3], $0x4000, $0x38;
	[tilespmem:$0x8280] =	vst v63  }
0x8b: {  	_ =	swait.ge [sflag:s4], $0x4000  }
0x8c: {  	[sflag:s4] =	ssyncset.done $0x0  }
0x8d: {  	[sflag:s4] =	ssyncadd.s32 $0xFFFFC000  }
0x8e: {  	[tilespmem:s8], [sflag:$0x2] =	stream.indirect.gather [hbm4b:s6+s7], $0x1, s18, s7, $0xb8;
	[tilespmem:$0x8280] =	vst v63  }
0x8f: {  	_ = 	snop  }
0x90: {  	[tilespmem:s10], [sflag:$0x1] =	stream.indirect.gather [hbm4b:s9+s7], $0x80, s18, s7, $0xb8;
	[tilespmem:$0x8280] =	vst v63  }
0x91: {  	_ =	swait.ge [sflag:s11], $0x80  }
0x92: {  	[sflag:s11] =	ssyncset.done $0x0  }
0x93: {  	[sflag:s11] =	ssyncadd.s32 $0xFFFFFF80  }
0x94: {  	[tilespmem:s12], [sflag:$0x2] =	stream.indirect.gather [hbm4b:s2+s7], $0x80, s8, s7, $0xb8;
	[tilespmem:$0x8280] =	vst v63  }
0x95: {  	_ =	swait.ge [sflag:s13], $0x4000  }
0x96: {  	[sflag:s13] =	ssyncset.done $0x0  }
0x97: {  	[sflag:s13] =	ssyncadd.s32 $0xFFFFC000  }
0x98: {  	[hbm4b:s19+s3] =	stream.linear.scatter [tilespmem:s10], [sflag:$0x3], $0x4000, $0x38;
	[tilespmem:$0x8280] =	vst v63  }
0x99: {  	_ =	swait.ge [sflag:s4], $0x4000  }
0x9a: {  	[sflag:s4] =	ssyncset.done $0x0  }
0x9b: {  	[sflag:s4] =	ssyncadd.s32 $0xFFFFC000  }
0x9c: {  	_ =	swait.ge [sflag:s11], $0x4000  }
0x9d: {  	[sflag:s11] =	ssyncset.done $0x0  }
0x9e: {  	[sflag:s11] =	ssyncadd.s32 $0xFFFFC000  }
0x9f: {  	[hbm4b:s20+s3] =	stream.linear.scatter [tilespmem:s12], [sflag:$0x3], $0x4000, $0x38;
	[tilespmem:$0x8280] =	vst v63  }
0xa0: {  	_ =	swait.ge [sflag:s4], $0x4000  }
0xa1: {  	[sflag:s4] =	ssyncset.done $0x0  }
0xa2: {  	[sflag:s4] =	ssyncadd.s32 $0xFFFFC000  }
0xa3: {  	[tilespmem:s8], [sflag:$0x2] =	stream.indirect.gather [hbm4b:s6+s7], $0x1, s21, s7, $0xb8;
	[tilespmem:$0x8280] =	vst v63  }
0xa4: {  	_ = 	snop  }
0xa5: {  	[tilespmem:s10], [sflag:$0x1] =	stream.indirect.gather [hbm4b:s9+s7], $0x80, s21, s7, $0xb8;
	[tilespmem:$0x8280] =	vst v63  }
0xa6: {  	_ =	swait.ge [sflag:s11], $0x80  }
0xa7: {  	[sflag:s11] =	ssyncset.done $0x0  }
0xa8: {  	[sflag:s11] =	ssyncadd.s32 $0xFFFFFF80  }
0xa9: {  	[tilespmem:s12], [sflag:$0x2] =	stream.indirect.gather [hbm4b:s2+s7], $0x80, s8, s7, $0xb8;
	[tilespmem:$0x8280] =	vst v63  }
0xaa: {  	_ =	swait.ge [sflag:s13], $0x4000  }
0xab: {  	[sflag:s13] =	ssyncset.done $0x0  }
0xac: {  	[sflag:s13] =	ssyncadd.s32 $0xFFFFC000  }
0xad: {  	[hbm4b:s22+s3] =	stream.linear.scatter [tilespmem:s10], [sflag:$0x3], $0x4000, $0x38;
	[tilespmem:$0x8280] =	vst v63  }
0xae: {  	_ =	swait.ge [sflag:s4], $0x4000  }
0xaf: {  	[sflag:s4] =	ssyncset.done $0x0  }
0xb0: {  	[sflag:s4] =	ssyncadd.s32 $0xFFFFC000  }
0xb1: {  	_ =	swait.ge [sflag:s11], $0x4000  }
.Ltmp1:
0xb2: {  	[sflag:s11] =	ssyncset.done $0x0;
	(pc) =	sbr.rel @p0 .LBB2_1-.Ltmp1, $4  }
0xb3: {  	[sflag:s11] =	ssyncadd.s32 $0xFFFFC000  }
0xb4: {  	[hbm4b:s23+s3] =	stream.linear.scatter [tilespmem:s12], [sflag:$0x3], $0x4000, $0x38;
	[tilespmem:$0x8280] =	vst v63  }
0xb5: {  	_ =	swait.ge [sflag:s4], $0x4000  }
0xb6: {  	[sflag:s4] =	ssyncset.done $0x0  }
.LBB2_2:
0xb7: {  	[sflag:s4] =	ssyncadd.s32 $0xFFFFC000  }
0xb8: {  	_ =	sfence.sel $0x180000  }
0xb9: {  	[bflag:$0x0] =	sbarrier.arrive $0xFFFF  }
0xba: {  	p0 =	sne.s32 s0, $0x0;
	_ =	strace $0x90000047  }
0xbb: {  	s0 =	sadd.s32 @!p0 $0x100000, s1;
	[bflag:$0x2] =	sbarrier.arrive $0xFFFF  }
0xbc: {  	[sflag:s0] =	ssyncadd.tile.s32 @!p0 $0x1;
	_ =	shalt  }
.Lfunc_end2:
_tile_overlayer_lowered:
.L_overlay_start_2:
0xbd: {  	(tag) =	ssettag $0x2  }
0xbe: {  	s0 =	rddreg [dreg:$0x0];
	s2 =	stileid.u32  }
0xbf: {  	s1 =	rddreg [dreg:$0x1];
	p0 =	sne.s32 s2, $0x0  }
0xc0: {  	s3 =	rddreg [dreg:$0x2];
	[bflag:$0x3] =	sbarrier.arrive $0xFFFF;
	s2 =	simm.s32 @!p0 $0x1C03  }
0xc1: {  	[timem:s3], [sflag:s2] =	dma.local @!p0 [hbm:s0], s1  }
0xc2: {  	s0 =	simm.s32 @!p0 $0x3  }
0xc3: {  	_ =	swait.ge @!p0 [sflag:s0], s1  }
0xc4: {  	s1 =	ssub.s32 @!p0 $0x0, s1;
	[sflag:s0] =	ssyncset.done @!p0 $0x0  }
0xc5: {  	[sflag:s0] =	ssyncadd.s32 @!p0 s1  }
0xc6: {  	[bflag:$0x3] =	sbarrier.arrive $0xFFFF  }
0xc7: {  	_ =	shalt  }

</sc_bundles>
